<compile_context>
chip_gen: v7x
topology: tpu7x:2x2x1
jax: 0.10.2.dev20260603
libtpu: 0.0.44.dev20260713+nightly
codegen_flags: <defaults>
</compile_context>

<pallas_src>
import jax
import jax.numpy as jnp
from jax import lax
from jax.experimental import pallas as pl
from jax.experimental.pallas import tpu as pltpu
from jax.experimental.pallas import tpu_sc as plsc

_BINS = 256
_B = 8
_N = 32768
_LANES = 16
_NS = 16
_TILES_PER_ROW = 4
_CHUNK = _N // _TILES_PER_ROW
_SD = 390.625
_PBINS = _BINS + 2


def _body(x_hbm, m_hbm, out_hbm, x_v, m_v, acc_v, part_v, red_v, out_v,
          shared, sem1, sem2):
    c = lax.axis_index("c")
    s = lax.axis_index("s")
    row = c * 4 + s // _TILES_PER_ROW
    off = (s % _TILES_PER_ROW) * _CHUNK

    cp1 = pltpu.async_copy(x_hbm.at[row, pl.ds(off, _CHUNK)], x_v, sem1)
    cp2 = pltpu.async_copy(m_hbm.at[row, pl.ds(off, _CHUNK)], m_v, sem2)

    zero16 = jnp.zeros((_LANES,), jnp.float32)

    @plsc.parallel_loop(0, _LANES * _PBINS, step=_LANES, unroll=4)
    def _zero(k):
        acc_v[pl.ds(k, _LANES)] = zero16

    cp1.wait()
    cp2.wait()

    lane_base = lax.iota(jnp.int32, _LANES) * _PBINS + 1
    one = jnp.float32(1.0)
    sd = jnp.float32(_SD)
    magic = jnp.float32(8388608.0)

    @plsc.parallel_loop(0, _CHUNK, step=_LANES, unroll=4)
    def _step(k):
        xv = x_v[pl.ds(k, _LANES)]
        mv = m_v[pl.ds(k, _LANES)]
        t = xv * jnp.float32(_BINS)
        fe = (t + magic) - magic
        e = fe.astype(jnp.int32)
        r = t - fe
        u = r * (-sd)
        q = jnp.exp(jnp.minimum(u, -u))
        w_far = q / (one + q)
        w_e = jnp.where(r >= 0, one - w_far, w_far)
        we_m = w_e * mv
        idx = lane_base + e
        plsc.addupdate_scatter(acc_v, [idx], we_m)
        plsc.addupdate_scatter(acc_v, [idx - 1], mv - we_m)

    @plsc.parallel_loop(0, _BINS, step=_LANES, unroll=2)
    def _red(col):
        v = acc_v[pl.ds(col + 1, _LANES)]
        for l in range(1, _LANES):
            v = v + acc_v[pl.ds(l * _PBINS + col + 1, _LANES)]
        part_v[pl.ds(col, _LANES)] = v

    pltpu.sync_copy(part_v, shared.at[s])
    plsc.subcore_barrier()

    @pl.when(s < _TILES_PER_ROW)
    def _():
        pltpu.sync_copy(shared.at[pl.ds(s * _TILES_PER_ROW, _TILES_PER_ROW)],
                        red_v)

        @plsc.parallel_loop(0, _BINS, step=_LANES, unroll=2)
        def _out(col):
            v = red_v[0, pl.ds(col, _LANES)]
            for l in range(1, _TILES_PER_ROW):
                v = v + red_v[l, pl.ds(col, _LANES)]
            out_v[pl.ds(col, _LANES)] = v

        pltpu.sync_copy(out_v, out_hbm.at[c * 4 + s])


@jax.jit
def _soft_hist(x, mask):
    mesh = plsc.VectorSubcoreMesh(core_axis_name="c", subcore_axis_name="s")
    f = pl.kernel(
        _body,
        out_type=jax.ShapeDtypeStruct((_B, _BINS), jnp.float32),
        mesh=mesh,
        compiler_params=pltpu.CompilerParams(
            needs_layout_passes=False, skip_device_barrier=True),
        scratch_types=[
            pltpu.VMEM((_CHUNK,), jnp.float32),
            pltpu.VMEM((_CHUNK,), jnp.float32),
            pltpu.VMEM((_LANES * _PBINS,), jnp.float32),
            pltpu.VMEM((_BINS,), jnp.float32),
            pltpu.VMEM((_TILES_PER_ROW, _BINS), jnp.float32),
            pltpu.VMEM((_BINS,), jnp.float32),
            pltpu.VMEM_SHARED((_NS, _BINS), jnp.float32),
            pltpu.SemaphoreType.DMA,
            pltpu.SemaphoreType.DMA,
        ],
    )
    return f(x, mask)


def kernel(x, mask):
    return _soft_hist(x, mask)

# --- scband reference (transcript-rebuilt; emitter-appended) ---
"""Pipeline reference for scband-soft-histogram-6932077215796 (READ-ONLY COPY).

The authoritative reference and input builder live on the scoring server;
editing this copy changes nothing except your own understanding.
"""

import jax, jax.numpy as jnp
import numpy as np

BINS = 256
MINV = 0.0
MAXV = 1.0
SIGMA = 100000.0
DELTA = (MAXV - MINV) / float(BINS)


def setup_inputs(seed: int = 0) -> dict:
    key = jax.random.key(seed)
    k1, k2 = jax.random.split(key)
    x = jax.random.uniform(k1, (8, 32768), dtype=jnp.float32)
    mask = jax.random.uniform(k2, (8, 32768), dtype=jnp.float32)
    return {"x": x, "mask": mask}


def reference(x, mask):
    # centers buffer: min + delta * (arange(bins) + 0.5)
    centers = MINV + DELTA * (jnp.arange(BINS, dtype=jnp.float32) + 0.5)
    # x: (B, n) -> (B, 1, n) minus centers (1, bins, 1) -> (B, bins, n)
    d = x[:, None, :] - centers[None, :, None]
    y = jax.nn.sigmoid(SIGMA * (d + DELTA / 2.0)) - jax.nn.sigmoid(SIGMA * (d - DELTA / 2.0))
    y = y * mask[:, None, :]
    return y.sum(axis=-1)

if __name__ == "__main__":
    import jax
    _d = setup_inputs()
    print(jax.jit(kernel)(*tuple(_d.values())))

</pallas_src>

<mosaic_0001>
#map = affine_map<(d0, d1) -> (0, 0)>
module attributes {stable_mosaic.version = 14 : i64} {
  func.func @_body(%arg0: i32, %arg1: i32, %arg2: memref<8x32768xf32, #tpu.memory_space<hbm>>, %arg3: memref<8x32768xf32, #tpu.memory_space<hbm>>, %arg4: memref<8x256xf32, #tpu.memory_space<hbm>>, %arg5: memref<8192xf32, #tpu.memory_space<vmem>>, %arg6: memref<8192xf32, #tpu.memory_space<vmem>>, %arg7: memref<4128xf32, #tpu.memory_space<vmem>>, %arg8: memref<256xf32, #tpu.memory_space<vmem>>, %arg9: memref<4x256xf32, #tpu.memory_space<vmem>>, %arg10: memref<256xf32, #tpu.memory_space<vmem>>, %arg11: memref<16x256xf32, #tpu.memory_space<vmem_shared>>, %arg12: memref<!tpu.dma_semaphore, #tpu.memory_space<semaphore_mem>>, %arg13: memref<!tpu.dma_semaphore, #tpu.memory_space<semaphore_mem>>) attributes {dimension_semantics = [#tpu.dimension_semantics<core_parallel>, #tpu.dimension_semantics<subcore_parallel>], iteration_bounds = array<i64: 2, 16>, scalar_prefetch = 0 : i64, scratch_operands = 9 : i64, tpu.core_type = #tpu.core_type<sc_vector_subcore>, window_params = [{transform_indices = #map}, {transform_indices = #map}, {transform_indices = #map}]} {
    %mul3A = arith.constant 4 : i32
    %mul3A_0 = arith.muli %arg0, %mul3A : i32
    %jit3A = arith.constant 4 : i32
    %div3A = arith.divsi %arg1, %jit3A : i32
    %sign3A = arith.constant 0 : i32
    %sign3A_1 = arith.cmpi sgt, %arg1, %sign3A : i32
    %sign3A_2 = arith.extui %sign3A_1 : i1 to i32
    %sign3A_3 = arith.constant 0 : i32
    %sign3A_4 = arith.cmpi slt, %arg1, %sign3A_3 : i32
    %sign3A_5 = arith.extui %sign3A_4 : i1 to i32
    %sign3A_6 = arith.subi %sign3A_2, %sign3A_5 : i32
    %sign3A_7 = arith.constant 0 : i32
    %sign3A_8 = arith.cmpi sgt, %jit3A, %sign3A_7 : i32
    %sign3A_9 = arith.extui %sign3A_8 : i1 to i32
    %sign3A_10 = arith.constant 0 : i32
    %sign3A_11 = arith.cmpi slt, %jit3A, %sign3A_10 : i32
    %sign3A_12 = arith.extui %sign3A_11 : i1 to i32
    %sign3A_13 = arith.subi %sign3A_9, %sign3A_12 : i32
    %ne3A = arith.cmpi ne, %sign3A_6, %sign3A_13 : i32
    %rem3A = arith.remsi %arg1, %jit3A : i32
    %ne3A_14 = arith.constant 0 : i32
    %ne3A_15 = arith.cmpi ne, %rem3A, %ne3A_14 : i32
    %and3A = arith.andi %ne3A, %ne3A_15 : i1
    %sub3A = arith.constant 1 : i32
    %sub3A_16 = arith.subi %div3A, %sub3A : i32
    %select_n3A = arith.select %and3A, %sub3A_16, %div3A : i32
    %add3A = arith.addi %mul3A_0, %select_n3A : i32
    %jit3A_17 = arith.constant 4 : i32
    %eq3A = arith.constant 0 : i32
    %eq3A_18 = arith.cmpi eq, %jit3A_17, %eq3A : i32
    %jit3A_19 = arith.constant 1 : i32
    %select_n3A_20 = arith.select %eq3A_18, %jit3A_19, %jit3A_17 : i32
    %rem3A_21 = arith.remsi %arg1, %select_n3A_20 : i32
    %ne3A_22 = arith.constant 0 : i32
    %ne3A_23 = arith.cmpi ne, %rem3A_21, %ne3A_22 : i32
    %lt3A = arith.constant 0 : i32
    %lt3A_24 = arith.cmpi slt, %rem3A_21, %lt3A : i32
    %lt3A_25 = arith.constant 0 : i32
    %lt3A_26 = arith.cmpi slt, %select_n3A_20, %lt3A_25 : i32
    %ne3A_27 = arith.xori %lt3A_24, %lt3A_26 : i1
    %and3A_28 = arith.andi %ne3A_27, %ne3A_23 : i1
    %add3A_29 = arith.addi %rem3A_21, %select_n3A_20 : i32
    %select_n3A_30 = arith.select %and3A_28, %add3A_29, %rem3A_21 : i32
    %mul3A_31 = arith.constant 8192 : i32
    %mul3A_32 = arith.muli %select_n3A_30, %mul3A_31 : i32
    %dma_start3A = tpu.memref_slice %arg2[%add3A, %mul3A_32] : memref<8x32768xf32, #tpu.memory_space<hbm>> -> memref<1x8192xf32, #tpu.memory_space<hbm>>
    %dma_start3A_33 = tpu.memref_squeeze %dma_start3A : memref<1x8192xf32, #tpu.memory_space<hbm>> -> memref<8192xf32, #tpu.memory_space<hbm>>
    %dma_start3A_34 = tpu.memref_slice %arg2[%add3A, %mul3A_32] : memref<8x32768xf32, #tpu.memory_space<hbm>> -> memref<1x8192xf32, #tpu.memory_space<hbm>>
    %dma_start3A_35 = tpu.memref_squeeze %dma_start3A_34 : memref<1x8192xf32, #tpu.memory_space<hbm>> -> memref<8192xf32, #tpu.memory_space<hbm>>
    tpu.enqueue_dma source(%dma_start3A_35 : memref<8192xf32, #tpu.memory_space<hbm>>) target(%arg5 : memref<8192xf32, #tpu.memory_space<vmem>>) target_semaphore(%arg12 : memref<!tpu.dma_semaphore, #tpu.memory_space<semaphore_mem>>)
    %dma_start3A_36 = tpu.memref_slice %arg3[%add3A, %mul3A_32] : memref<8x32768xf32, #tpu.memory_space<hbm>> -> memref<1x8192xf32, #tpu.memory_space<hbm>>
    %dma_start3A_37 = tpu.memref_squeeze %dma_start3A_36 : memref<1x8192xf32, #tpu.memory_space<hbm>> -> memref<8192xf32, #tpu.memory_space<hbm>>
    %dma_start3A_38 = tpu.memref_slice %arg3[%add3A, %mul3A_32] : memref<8x32768xf32, #tpu.memory_space<hbm>> -> memref<1x8192xf32, #tpu.memory_space<hbm>>
    %dma_start3A_39 = tpu.memref_squeeze %dma_start3A_38 : memref<1x8192xf32, #tpu.memory_space<hbm>> -> memref<8192xf32, #tpu.memory_space<hbm>>
    tpu.enqueue_dma source(%dma_start3A_39 : memref<8192xf32, #tpu.memory_space<hbm>>) target(%arg6 : memref<8192xf32, #tpu.memory_space<vmem>>) target_semaphore(%arg13 : memref<!tpu.dma_semaphore, #tpu.memory_space<semaphore_mem>>)
    %broadcast_in_dim3A = arith.constant 0.000000e+00 : f32
    %broadcast_in_dim3A_40 = vector.broadcast %broadcast_in_dim3A : f32 to vector<16xf32>
    %parallel_loop3A = arith.constant 0 : i32
    %parallel_loop3A_41 = arith.constant 4128 : i32
    %parallel_loop3A_42 = arith.constant 16 : i32
    scf.for %parallel_loop3A_68 = %parallel_loop3A to %parallel_loop3A_41 step %parallel_loop3A_42  : i32 {
      %parallel_loop3A_69 = arith.index_cast %parallel_loop3A_68 : i32 to index
      %parallel_loop3A_70 = tpu.vector_load %arg7[%parallel_loop3A_69] {strides = array<i32>} : memref<4128xf32, #tpu.memory_space<vmem>>, vector<16xf32>,
      tpu.vector_store %arg7[%parallel_loop3A_69], %broadcast_in_dim3A_40 {strides = array<i32>} : memref<4128xf32, #tpu.memory_space<vmem>>, vector<16xf32>,
    } {sc.loop_unroll_factor = 4 : i64, sc.parallel_access}
    %dma_wait3A = tpu.memref_slice %arg2[%add3A, %mul3A_32] : memref<8x32768xf32, #tpu.memory_space<hbm>> -> memref<1x8192xf32, #tpu.memory_space<hbm>>
    %dma_wait3A_43 = tpu.memref_squeeze %dma_wait3A : memref<1x8192xf32, #tpu.memory_space<hbm>> -> memref<8192xf32, #tpu.memory_space<hbm>>
    %dma_wait3A_44 = tpu.memref_slice %arg2[%add3A, %mul3A_32] : memref<8x32768xf32, #tpu.memory_space<hbm>> -> memref<1x8192xf32, #tpu.memory_space<hbm>>
    %dma_wait3A_45 = tpu.memref_squeeze %dma_wait3A_44 : memref<1x8192xf32, #tpu.memory_space<hbm>> -> memref<8192xf32, #tpu.memory_space<hbm>>
    tpu.wait_dma2 semaphore(%arg12 : memref<!tpu.dma_semaphore, #tpu.memory_space<semaphore_mem>>) src(%dma_wait3A_45 : memref<8192xf32, #tpu.memory_space<hbm>>) dst(%arg5 : memref<8192xf32, #tpu.memory_space<vmem>>)
    %dma_wait3A_46 = tpu.memref_slice %arg3[%add3A, %mul3A_32] : memref<8x32768xf32, #tpu.memory_space<hbm>> -> memref<1x8192xf32, #tpu.memory_space<hbm>>
    %dma_wait3A_47 = tpu.memref_squeeze %dma_wait3A_46 : memref<1x8192xf32, #tpu.memory_space<hbm>> -> memref<8192xf32, #tpu.memory_space<hbm>>
    %dma_wait3A_48 = tpu.memref_slice %arg3[%add3A, %mul3A_32] : memref<8x32768xf32, #tpu.memory_space<hbm>> -> memref<1x8192xf32, #tpu.memory_space<hbm>>
    %dma_wait3A_49 = tpu.memref_squeeze %dma_wait3A_48 : memref<1x8192xf32, #tpu.memory_space<hbm>> -> memref<8192xf32, #tpu.memory_space<hbm>>
    tpu.wait_dma2 semaphore(%arg13 : memref<!tpu.dma_semaphore, #tpu.memory_space<semaphore_mem>>) src(%dma_wait3A_49 : memref<8192xf32, #tpu.memory_space<hbm>>) dst(%arg6 : memref<8192xf32, #tpu.memory_space<vmem>>)
    %iota3A = tpu.iota {dimensions = array<i32: 0>} : vector<16xi32>
    %mul3A_50 = arith.constant 258 : i32
    %mul3A_51 = vector.broadcast %mul3A_50 : i32 to vector<16xi32>
    %mul3A_52 = arith.muli %iota3A, %mul3A_51 : vector<16xi32>
    %add3A_53 = arith.constant 1 : i32
    %add3A_54 = vector.broadcast %add3A_53 : i32 to vector<16xi32>
    %add3A_55 = arith.addi %mul3A_52, %add3A_54 : vector<16xi32>
    %parallel_loop3A_56 = arith.constant 0 : i32
    %parallel_loop3A_57 = arith.constant 8192 : i32
    %parallel_loop3A_58 = arith.constant 16 : i32
    %parallel_loop3A_59 = arith.constant 0x4B000000 : f32
    %parallel_loop3A_60 = arith.constant 3.906250e+02 : f32
    %parallel_loop3A_61 = arith.constant 1.000000e+00 : f32
    scf.for %parallel_loop3A_68 = %parallel_loop3A_56 to %parallel_loop3A_57 step %parallel_loop3A_58  : i32 {
      %parallel_loop3A_69 = arith.index_cast %parallel_loop3A_68 : i32 to index
      %parallel_loop3A_70 = tpu.vector_load %arg5[%parallel_loop3A_69] {strides = array<i32>} : memref<8192xf32, #tpu.memory_space<vmem>>, vector<16xf32>,
      %parallel_loop3A_71 = arith.index_cast %parallel_loop3A_68 : i32 to index
      %parallel_loop3A_72 = tpu.vector_load %arg6[%parallel_loop3A_71] {strides = array<i32>} : memref<8192xf32, #tpu.memory_space<vmem>>, vector<16xf32>,
      %parallel_loop3A_73 = arith.constant 2.560000e+02 : f32
      %parallel_loop3A_74 = vector.broadcast %parallel_loop3A_73 : f32 to vector<16xf32>
      %parallel_loop3A_75 = arith.mulf %parallel_loop3A_70, %parallel_loop3A_74 : vector<16xf32>
      %parallel_loop3A_76 = vector.broadcast %parallel_loop3A_59 : f32 to vector<16xf32>
      %parallel_loop3A_77 = arith.addf %parallel_loop3A_75, %parallel_loop3A_76 : vector<16xf32>
      %parallel_loop3A_78 = vector.broadcast %parallel_loop3A_59 : f32 to vector<16xf32>
      %parallel_loop3A_79 = arith.subf %parallel_loop3A_77, %parallel_loop3A_78 : vector<16xf32>
      %parallel_loop3A_80 = arith.fptosi %parallel_loop3A_79 : vector<16xf32> to vector<16xi32>
      %parallel_loop3A_81 = arith.subf %parallel_loop3A_75, %parallel_loop3A_79 : vector<16xf32>
      %parallel_loop3A_82 = arith.constant 0.000000e+00 : f32
      %parallel_loop3A_83 = arith.subf %parallel_loop3A_82, %parallel_loop3A_60 : f32
      %parallel_loop3A_84 = vector.broadcast %parallel_loop3A_83 : f32 to vector<16xf32>
      %parallel_loop3A_85 = arith.mulf %parallel_loop3A_81, %parallel_loop3A_84 : vector<16xf32>
      %parallel_loop3A_86 = arith.constant 0.000000e+00 : f32
      %parallel_loop3A_87 = vector.broadcast %parallel_loop3A_86 : f32 to vector<16xf32>
      %parallel_loop3A_88 = arith.subf %parallel_loop3A_87, %parallel_loop3A_85 : vector<16xf32>
      %parallel_loop3A_89 = arith.minimumf %parallel_loop3A_85, %parallel_loop3A_88 : vector<16xf32>
      %parallel_loop3A_90 = math.exp %parallel_loop3A_89 : vector<16xf32>
      %parallel_loop3A_91 = vector.broadcast %parallel_loop3A_61 : f32 to vector<16xf32>
      %parallel_loop3A_92 = arith.addf %parallel_loop3A_91, %parallel_loop3A_90 : vector<16xf32>
      %parallel_loop3A_93 = arith.divf %parallel_loop3A_90, %parallel_loop3A_92 : vector<16xf32>
      %parallel_loop3A_94 = arith.constant 0.000000e+00 : f32
      %parallel_loop3A_95 = vector.broadcast %parallel_loop3A_94 : f32 to vector<16xf32>
      %parallel_loop3A_96 = arith.cmpf oge, %parallel_loop3A_81, %parallel_loop3A_95 : vector<16xf32>
      %parallel_loop3A_97 = vector.broadcast %parallel_loop3A_61 : f32 to vector<16xf32>
      %parallel_loop3A_98 = arith.subf %parallel_loop3A_97, %parallel_loop3A_93 : vector<16xf32>
      %parallel_loop3A_99 = arith.select %parallel_loop3A_96, %parallel_loop3A_98, %parallel_loop3A_93 : vector<16xi1>, vector<16xf32>
      %parallel_loop3A_100 = arith.mulf %parallel_loop3A_99, %parallel_loop3A_72 : vector<16xf32>
      %parallel_loop3A_101 = arith.addi %add3A_55, %parallel_loop3A_80 : vector<16xi32>
      tpu.vector_store_idx %arg7[%parallel_loop3A_101], %parallel_loop3A_100 {add = true} : memref<4128xf32, #tpu.memory_space<vmem>>[vector<16xi32>], vector<16xf32>,
      %parallel_loop3A_102 = arith.constant 1 : i32
      %parallel_loop3A_103 = vector.broadcast %parallel_loop3A_102 : i32 to vector<16xi32>
      %parallel_loop3A_104 = arith.subi %parallel_loop3A_101, %parallel_loop3A_103 : vector<16xi32>
      %parallel_loop3A_105 = arith.subf %parallel_loop3A_72, %parallel_loop3A_100 : vector<16xf32>
      tpu.vector_store_idx %arg7[%parallel_loop3A_104], %parallel_loop3A_105 {add = true} : memref<4128xf32, #tpu.memory_space<vmem>>[vector<16xi32>], vector<16xf32>,
    } {sc.loop_unroll_factor = 4 : i64, sc.parallel_access}
    %parallel_loop3A_62 = arith.constant 0 : i32
    %parallel_loop3A_63 = arith.constant 256 : i32
    %parallel_loop3A_64 = arith.constant 16 : i32
    scf.for %parallel_loop3A_68 = %parallel_loop3A_62 to %parallel_loop3A_63 step %parallel_loop3A_64  : i32 {
      %parallel_loop3A_69 = arith.constant 1 : i32
      %parallel_loop3A_70 = arith.addi %parallel_loop3A_68, %parallel_loop3A_69 : i32
      %parallel_loop3A_71 = arith.index_cast %parallel_loop3A_70 : i32 to index
      %parallel_loop3A_72 = tpu.vector_load %arg7[%parallel_loop3A_71] {strides = array<i32>} : memref<4128xf32, #tpu.memory_space<vmem>>, vector<16xf32>,
      %parallel_loop3A_73 = arith.constant 258 : i32
      %parallel_loop3A_74 = arith.addi %parallel_loop3A_73, %parallel_loop3A_68 : i32
      %parallel_loop3A_75 = arith.constant 1 : i32
      %parallel_loop3A_76 = arith.addi %parallel_loop3A_74, %parallel_loop3A_75 : i32
      %parallel_loop3A_77 = arith.index_cast %parallel_loop3A_76 : i32 to index
      %parallel_loop3A_78 = tpu.vector_load %arg7[%parallel_loop3A_77] {strides = array<i32>} : memref<4128xf32, #tpu.memory_space<vmem>>, vector<16xf32>,
      %parallel_loop3A_79 = arith.addf %parallel_loop3A_72, %parallel_loop3A_78 : vector<16xf32>
      %parallel_loop3A_80 = arith.constant 516 : i32
      %parallel_loop3A_81 = arith.addi %parallel_loop3A_80, %parallel_loop3A_68 : i32
      %parallel_loop3A_82 = arith.constant 1 : i32
      %parallel_loop3A_83 = arith.addi %parallel_loop3A_81, %parallel_loop3A_82 : i32
      %parallel_loop3A_84 = arith.index_cast %parallel_loop3A_83 : i32 to index
      %parallel_loop3A_85 = tpu.vector_load %arg7[%parallel_loop3A_84] {strides = array<i32>} : memref<4128xf32, #tpu.memory_space<vmem>>, vector<16xf32>,
      %parallel_loop3A_86 = arith.addf %parallel_loop3A_79, %parallel_loop3A_85 : vector<16xf32>
      %parallel_loop3A_87 = arith.constant 774 : i32
      %parallel_loop3A_88 = arith.addi %parallel_loop3A_87, %parallel_loop3A_68 : i32
      %parallel_loop3A_89 = arith.constant 1 : i32
      %parallel_loop3A_90 = arith.addi %parallel_loop3A_88, %parallel_loop3A_89 : i32
      %parallel_loop3A_91 = arith.index_cast %parallel_loop3A_90 : i32 to index
      %parallel_loop3A_92 = tpu.vector_load %arg7[%parallel_loop3A_91] {strides = array<i32>} : memref<4128xf32, #tpu.memory_space<vmem>>, vector<16xf32>,
      %parallel_loop3A_93 = arith.addf %parallel_loop3A_86, %parallel_loop3A_92 : vector<16xf32>
      %parallel_loop3A_94 = arith.constant 1032 : i32
      %parallel_loop3A_95 = arith.addi %parallel_loop3A_94, %parallel_loop3A_68 : i32
      %parallel_loop3A_96 = arith.constant 1 : i32
      %parallel_loop3A_97 = arith.addi %parallel_loop3A_95, %parallel_loop3A_96 : i32
      %parallel_loop3A_98 = arith.index_cast %parallel_loop3A_97 : i32 to index
      %parallel_loop3A_99 = tpu.vector_load %arg7[%parallel_loop3A_98] {strides = array<i32>} : memref<4128xf32, #tpu.memory_space<vmem>>, vector<16xf32>,
      %parallel_loop3A_100 = arith.addf %parallel_loop3A_93, %parallel_loop3A_99 : vector<16xf32>
      %parallel_loop3A_101 = arith.constant 1290 : i32
      %parallel_loop3A_102 = arith.addi %parallel_loop3A_101, %parallel_loop3A_68 : i32
      %parallel_loop3A_103 = arith.constant 1 : i32
      %parallel_loop3A_104 = arith.addi %parallel_loop3A_102, %parallel_loop3A_103 : i32
      %parallel_loop3A_105 = arith.index_cast %parallel_loop3A_104 : i32 to index
      %parallel_loop3A_106 = tpu.vector_load %arg7[%parallel_loop3A_105] {strides = array<i32>} : memref<4128xf32, #tpu.memory_space<vmem>>, vector<16xf32>,
      %parallel_loop3A_107 = arith.addf %parallel_loop3A_100, %parallel_loop3A_106 : vector<16xf32>
      %parallel_loop3A_108 = arith.constant 1548 : i32
      %parallel_loop3A_109 = arith.addi %parallel_loop3A_108, %parallel_loop3A_68 : i32
      %parallel_loop3A_110 = arith.constant 1 : i32
      %parallel_loop3A_111 = arith.addi %parallel_loop3A_109, %parallel_loop3A_110 : i32
      %parallel_loop3A_112 = arith.index_cast %parallel_loop3A_111 : i32 to index
      %parallel_loop3A_113 = tpu.vector_load %arg7[%parallel_loop3A_112] {strides = array<i32>} : memref<4128xf32, #tpu.memory_space<vmem>>, vector<16xf32>,
      %parallel_loop3A_114 = arith.addf %parallel_loop3A_107, %parallel_loop3A_113 : vector<16xf32>
      %parallel_loop3A_115 = arith.constant 1806 : i32
      %parallel_loop3A_116 = arith.addi %parallel_loop3A_115, %parallel_loop3A_68 : i32
      %parallel_loop3A_117 = arith.constant 1 : i32
      %parallel_loop3A_118 = arith.addi %parallel_loop3A_116, %parallel_loop3A_117 : i32
      %parallel_loop3A_119 = arith.index_cast %parallel_loop3A_118 : i32 to index
      %parallel_loop3A_120 = tpu.vector_load %arg7[%parallel_loop3A_119] {strides = array<i32>} : memref<4128xf32, #tpu.memory_space<vmem>>, vector<16xf32>,
      %parallel_loop3A_121 = arith.addf %parallel_loop3A_114, %parallel_loop3A_120 : vector<16xf32>
      %parallel_loop3A_122 = arith.constant 2064 : i32
      %parallel_loop3A_123 = arith.addi %parallel_loop3A_122, %parallel_loop3A_68 : i32
      %parallel_loop3A_124 = arith.constant 1 : i32
      %parallel_loop3A_125 = arith.addi %parallel_loop3A_123, %parallel_loop3A_124 : i32
      %parallel_loop3A_126 = arith.index_cast %parallel_loop3A_125 : i32 to index
      %parallel_loop3A_127 = tpu.vector_load %arg7[%parallel_loop3A_126] {strides = array<i32>} : memref<4128xf32, #tpu.memory_space<vmem>>, vector<16xf32>,
      %parallel_loop3A_128 = arith.addf %parallel_loop3A_121, %parallel_loop3A_127 : vector<16xf32>
      %parallel_loop3A_129 = arith.constant 2322 : i32
      %parallel_loop3A_130 = arith.addi %parallel_loop3A_129, %parallel_loop3A_68 : i32
      %parallel_loop3A_131 = arith.constant 1 : i32
      %parallel_loop3A_132 = arith.addi %parallel_loop3A_130, %parallel_loop3A_131 : i32
      %parallel_loop3A_133 = arith.index_cast %parallel_loop3A_132 : i32 to index
      %parallel_loop3A_134 = tpu.vector_load %arg7[%parallel_loop3A_133] {strides = array<i32>} : memref<4128xf32, #tpu.memory_space<vmem>>, vector<16xf32>,
      %parallel_loop3A_135 = arith.addf %parallel_loop3A_128, %parallel_loop3A_134 : vector<16xf32>
      %parallel_loop3A_136 = arith.constant 2580 : i32
      %parallel_loop3A_137 = arith.addi %parallel_loop3A_136, %parallel_loop3A_68 : i32
      %parallel_loop3A_138 = arith.constant 1 : i32
      %parallel_loop3A_139 = arith.addi %parallel_loop3A_137, %parallel_loop3A_138 : i32
      %parallel_loop3A_140 = arith.index_cast %parallel_loop3A_139 : i32 to index
      %parallel_loop3A_141 = tpu.vector_load %arg7[%parallel_loop3A_140] {strides = array<i32>} : memref<4128xf32, #tpu.memory_space<vmem>>, vector<16xf32>,
      %parallel_loop3A_142 = arith.addf %parallel_loop3A_135, %parallel_loop3A_141 : vector<16xf32>
      %parallel_loop3A_143 = arith.constant 2838 : i32
      %parallel_loop3A_144 = arith.addi %parallel_loop3A_143, %parallel_loop3A_68 : i32
      %parallel_loop3A_145 = arith.constant 1 : i32
      %parallel_loop3A_146 = arith.addi %parallel_loop3A_144, %parallel_loop3A_145 : i32
      %parallel_loop3A_147 = arith.index_cast %parallel_loop3A_146 : i32 to index
      %parallel_loop3A_148 = tpu.vector_load %arg7[%parallel_loop3A_147] {strides = array<i32>} : memref<4128xf32, #tpu.memory_space<vmem>>, vector<16xf32>,
      %parallel_loop3A_149 = arith.addf %parallel_loop3A_142, %parallel_loop3A_148 : vector<16xf32>
      %parallel_loop3A_150 = arith.constant 3096 : i32
      %parallel_loop3A_151 = arith.addi %parallel_loop3A_150, %parallel_loop3A_68 : i32
      %parallel_loop3A_152 = arith.constant 1 : i32
      %parallel_loop3A_153 = arith.addi %parallel_loop3A_151, %parallel_loop3A_152 : i32
      %parallel_loop3A_154 = arith.index_cast %parallel_loop3A_153 : i32 to index
      %parallel_loop3A_155 = tpu.vector_load %arg7[%parallel_loop3A_154] {strides = array<i32>} : memref<4128xf32, #tpu.memory_space<vmem>>, vector<16xf32>,
      %parallel_loop3A_156 = arith.addf %parallel_loop3A_149, %parallel_loop3A_155 : vector<16xf32>
      %parallel_loop3A_157 = arith.constant 3354 : i32
      %parallel_loop3A_158 = arith.addi %parallel_loop3A_157, %parallel_loop3A_68 : i32
      %parallel_loop3A_159 = arith.constant 1 : i32
      %parallel_loop3A_160 = arith.addi %parallel_loop3A_158, %parallel_loop3A_159 : i32
      %parallel_loop3A_161 = arith.index_cast %parallel_loop3A_160 : i32 to index
      %parallel_loop3A_162 = tpu.vector_load %arg7[%parallel_loop3A_161] {strides = array<i32>} : memref<4128xf32, #tpu.memory_space<vmem>>, vector<16xf32>,
      %parallel_loop3A_163 = arith.addf %parallel_loop3A_156, %parallel_loop3A_162 : vector<16xf32>
      %parallel_loop3A_164 = arith.constant 3612 : i32
      %parallel_loop3A_165 = arith.addi %parallel_loop3A_164, %parallel_loop3A_68 : i32
      %parallel_loop3A_166 = arith.constant 1 : i32
      %parallel_loop3A_167 = arith.addi %parallel_loop3A_165, %parallel_loop3A_166 : i32
      %parallel_loop3A_168 = arith.index_cast %parallel_loop3A_167 : i32 to index
      %parallel_loop3A_169 = tpu.vector_load %arg7[%parallel_loop3A_168] {strides = array<i32>} : memref<4128xf32, #tpu.memory_space<vmem>>, vector<16xf32>,
      %parallel_loop3A_170 = arith.addf %parallel_loop3A_163, %parallel_loop3A_169 : vector<16xf32>
      %parallel_loop3A_171 = arith.constant 3870 : i32
      %parallel_loop3A_172 = arith.addi %parallel_loop3A_171, %parallel_loop3A_68 : i32
      %parallel_loop3A_173 = arith.constant 1 : i32
      %parallel_loop3A_174 = arith.addi %parallel_loop3A_172, %parallel_loop3A_173 : i32
      %parallel_loop3A_175 = arith.index_cast %parallel_loop3A_174 : i32 to index
      %parallel_loop3A_176 = tpu.vector_load %arg7[%parallel_loop3A_175] {strides = array<i32>} : memref<4128xf32, #tpu.memory_space<vmem>>, vector<16xf32>,
      %parallel_loop3A_177 = arith.addf %parallel_loop3A_170, %parallel_loop3A_176 : vector<16xf32>
      %parallel_loop3A_178 = arith.index_cast %parallel_loop3A_68 : i32 to index
      %parallel_loop3A_179 = tpu.vector_load %arg8[%parallel_loop3A_178] {strides = array<i32>} : memref<256xf32, #tpu.memory_space<vmem>>, vector<16xf32>,
      tpu.vector_store %arg8[%parallel_loop3A_178], %parallel_loop3A_177 {strides = array<i32>} : memref<256xf32, #tpu.memory_space<vmem>>, vector<16xf32>,
    } {sc.loop_unroll_factor = 2 : i64, sc.parallel_access}
    "tpu.region"() ({
      %run_scoped3A = tpu.sem_alloc : memref<!tpu.dma_semaphore, #tpu.memory_space<semaphore_mem>>
      %dma_start3A_68 = arith.constant 0 : i32
      %dma_start3A_69 = tpu.memref_slice %arg11[%arg1, %dma_start3A_68] : memref<16x256xf32, #tpu.memory_space<vmem_shared>> -> memref<1x256xf32, #tpu.memory_space<vmem_shared>>
      %dma_start3A_70 = tpu.memref_squeeze %dma_start3A_69 : memref<1x256xf32, #tpu.memory_space<vmem_shared>> -> memref<256xf32, #tpu.memory_space<vmem_shared>>
      %dma_start3A_71 = arith.constant 0 : i32
      %dma_start3A_72 = tpu.memref_slice %arg11[%arg1, %dma_start3A_71] : memref<16x256xf32, #tpu.memory_space<vmem_shared>> -> memref<1x256xf32, #tpu.memory_space<vmem_shared>>
      %dma_start3A_73 = tpu.memref_squeeze %dma_start3A_72 : memref<1x256xf32, #tpu.memory_space<vmem_shared>> -> memref<256xf32, #tpu.memory_space<vmem_shared>>
      tpu.enqueue_dma source(%arg8 : memref<256xf32, #tpu.memory_space<vmem>>) target(%dma_start3A_73 : memref<256xf32, #tpu.memory_space<vmem_shared>>) target_semaphore(%run_scoped3A : memref<!tpu.dma_semaphore, #tpu.memory_space<semaphore_mem>>)
      %dma_wait3A_74 = arith.constant 0 : i32
      %dma_wait3A_75 = tpu.memref_slice %arg11[%arg1, %dma_wait3A_74] : memref<16x256xf32, #tpu.memory_space<vmem_shared>> -> memref<1x256xf32, #tpu.memory_space<vmem_shared>>
      %dma_wait3A_76 = tpu.memref_squeeze %dma_wait3A_75 : memref<1x256xf32, #tpu.memory_space<vmem_shared>> -> memref<256xf32, #tpu.memory_space<vmem_shared>>
      %dma_wait3A_77 = arith.constant 0 : i32
      %dma_wait3A_78 = tpu.memref_slice %arg11[%arg1, %dma_wait3A_77] : memref<16x256xf32, #tpu.memory_space<vmem_shared>> -> memref<1x256xf32, #tpu.memory_space<vmem_shared>>
      %dma_wait3A_79 = tpu.memref_squeeze %dma_wait3A_78 : memref<1x256xf32, #tpu.memory_space<vmem_shared>> -> memref<256xf32, #tpu.memory_space<vmem_shared>>
      tpu.wait_dma2 semaphore(%run_scoped3A : memref<!tpu.dma_semaphore, #tpu.memory_space<semaphore_mem>>) src(%arg8 : memref<256xf32, #tpu.memory_space<vmem>>) dst(%dma_wait3A_79 : memref<256xf32, #tpu.memory_space<vmem_shared>>)
      tpu.yield
    }) : () -> ()
    %barrier3A = arith.constant 0 : index
    tpu.barrier barrier_id(%barrier3A)
    %lt3A_65 = arith.constant 4 : i32
    %lt3A_66 = arith.cmpi slt, %arg1, %lt3A_65 : i32
    %convert_element_type3A = arith.extui %lt3A_66 : i1 to i32
    %cond3A = arith.constant 0 : i32
    %cond3A_67 = arith.cmpi ne, %convert_element_type3A, %cond3A : i32
    scf.if %cond3A_67 {
      %mul3A_68 = arith.constant 4 : i32
      %mul3A_69 = arith.muli %arg1, %mul3A_68 : i32
      "tpu.region"() ({
        %run_scoped3A = tpu.sem_alloc : memref<!tpu.dma_semaphore, #tpu.memory_space<semaphore_mem>>
        %dma_start3A_76 = arith.constant 0 : i32
        %dma_start3A_77 = tpu.memref_slice %arg11[%mul3A_69, %dma_start3A_76] : memref<16x256xf32, #tpu.memory_space<vmem_shared>> -> memref<4x256xf32, #tpu.memory_space<vmem_shared>>
        %dma_start3A_78 = arith.constant 0 : i32
        %dma_start3A_79 = tpu.memref_slice %arg11[%mul3A_69, %dma_start3A_78] : memref<16x256xf32, #tpu.memory_space<vmem_shared>> -> memref<4x256xf32, #tpu.memory_space<vmem_shared>>
        tpu.enqueue_dma source(%dma_start3A_79 : memref<4x256xf32, #tpu.memory_space<vmem_shared>>) target(%arg9 : memref<4x256xf32, #tpu.memory_space<vmem>>) target_semaphore(%run_scoped3A : memref<!tpu.dma_semaphore, #tpu.memory_space<semaphore_mem>>)
        %dma_wait3A_80 = arith.constant 0 : i32
        %dma_wait3A_81 = tpu.memref_slice %arg11[%mul3A_69, %dma_wait3A_80] : memref<16x256xf32, #tpu.memory_space<vmem_shared>> -> memref<4x256xf32, #tpu.memory_space<vmem_shared>>
        %dma_wait3A_82 = arith.constant 0 : i32
        %dma_wait3A_83 = tpu.memref_slice %arg11[%mul3A_69, %dma_wait3A_82] : memref<16x256xf32, #tpu.memory_space<vmem_shared>> -> memref<4x256xf32, #tpu.memory_space<vmem_shared>>
        tpu.wait_dma2 semaphore(%run_scoped3A : memref<!tpu.dma_semaphore, #tpu.memory_space<semaphore_mem>>) src(%dma_wait3A_83 : memref<4x256xf32, #tpu.memory_space<vmem_shared>>) dst(%arg9 : memref<4x256xf32, #tpu.memory_space<vmem>>)
        tpu.yield
      }) : () -> ()
      %parallel_loop3A_70 = arith.constant 0 : i32
      %parallel_loop3A_71 = arith.constant 256 : i32
      %parallel_loop3A_72 = arith.constant 16 : i32
      scf.for %parallel_loop3A_76 = %parallel_loop3A_70 to %parallel_loop3A_71 step %parallel_loop3A_72  : i32 {
        %parallel_loop3A_77 = arith.constant 0 : i32
        %parallel_loop3A_78 = arith.index_cast %parallel_loop3A_77 : i32 to index
        %parallel_loop3A_79 = arith.index_cast %parallel_loop3A_76 : i32 to index
        %parallel_loop3A_80 = tpu.vector_load %arg9[%parallel_loop3A_78, %parallel_loop3A_79] {strides = array<i32>} : memref<4x256xf32, #tpu.memory_space<vmem>>, vector<16xf32>,
        %parallel_loop3A_81 = arith.constant 1 : i32
        %parallel_loop3A_82 = arith.index_cast %parallel_loop3A_81 : i32 to index
        %parallel_loop3A_83 = arith.index_cast %parallel_loop3A_76 : i32 to index
        %parallel_loop3A_84 = tpu.vector_load %arg9[%parallel_loop3A_82, %parallel_loop3A_83] {strides = array<i32>} : memref<4x256xf32, #tpu.memory_space<vmem>>, vector<16xf32>,
        %parallel_loop3A_85 = arith.addf %parallel_loop3A_80, %parallel_loop3A_84 : vector<16xf32>
        %parallel_loop3A_86 = arith.constant 2 : i32
        %parallel_loop3A_87 = arith.index_cast %parallel_loop3A_86 : i32 to index
        %parallel_loop3A_88 = arith.index_cast %parallel_loop3A_76 : i32 to index
        %parallel_loop3A_89 = tpu.vector_load %arg9[%parallel_loop3A_87, %parallel_loop3A_88] {strides = array<i32>} : memref<4x256xf32, #tpu.memory_space<vmem>>, vector<16xf32>,
        %parallel_loop3A_90 = arith.addf %parallel_loop3A_85, %parallel_loop3A_89 : vector<16xf32>
        %parallel_loop3A_91 = arith.constant 3 : i32
        %parallel_loop3A_92 = arith.index_cast %parallel_loop3A_91 : i32 to index
        %parallel_loop3A_93 = arith.index_cast %parallel_loop3A_76 : i32 to index
        %parallel_loop3A_94 = tpu.vector_load %arg9[%parallel_loop3A_92, %parallel_loop3A_93] {strides = array<i32>} : memref<4x256xf32, #tpu.memory_space<vmem>>, vector<16xf32>,
        %parallel_loop3A_95 = arith.addf %parallel_loop3A_90, %parallel_loop3A_94 : vector<16xf32>
        %parallel_loop3A_96 = arith.index_cast %parallel_loop3A_76 : i32 to index
        %parallel_loop3A_97 = tpu.vector_load %arg10[%parallel_loop3A_96] {strides = array<i32>} : memref<256xf32, #tpu.memory_space<vmem>>, vector<16xf32>,
        tpu.vector_store %arg10[%parallel_loop3A_96], %parallel_loop3A_95 {strides = array<i32>} : memref<256xf32, #tpu.memory_space<vmem>>, vector<16xf32>,
      } {sc.loop_unroll_factor = 2 : i64, sc.parallel_access}
      %mul3A_73 = arith.constant 4 : i32
      %mul3A_74 = arith.muli %arg0, %mul3A_73 : i32
      %add3A_75 = arith.addi %mul3A_74, %arg1 : i32
      "tpu.region"() ({
        %run_scoped3A = tpu.sem_alloc : memref<!tpu.dma_semaphore, #tpu.memory_space<semaphore_mem>>
        %dma_start3A_76 = arith.constant 0 : i32
        %dma_start3A_77 = tpu.memref_slice %arg4[%add3A_75, %dma_start3A_76] : memref<8x256xf32, #tpu.memory_space<hbm>> -> memref<1x256xf32, #tpu.memory_space<hbm>>
        %dma_start3A_78 = tpu.memref_squeeze %dma_start3A_77 : memref<1x256xf32, #tpu.memory_space<hbm>> -> memref<256xf32, #tpu.memory_space<hbm>>
        %dma_start3A_79 = arith.constant 0 : i32
        %dma_start3A_80 = tpu.memref_slice %arg4[%add3A_75, %dma_start3A_79] : memref<8x256xf32, #tpu.memory_space<hbm>> -> memref<1x256xf32, #tpu.memory_space<hbm>>
        %dma_start3A_81 = tpu.memref_squeeze %dma_start3A_80 : memref<1x256xf32, #tpu.memory_space<hbm>> -> memref<256xf32, #tpu.memory_space<hbm>>
        tpu.enqueue_dma source(%arg10 : memref<256xf32, #tpu.memory_space<vmem>>) target(%dma_start3A_81 : memref<256xf32, #tpu.memory_space<hbm>>) target_semaphore(%run_scoped3A : memref<!tpu.dma_semaphore, #tpu.memory_space<semaphore_mem>>)
        %dma_wait3A_82 = arith.constant 0 : i32
        %dma_wait3A_83 = tpu.memref_slice %arg4[%add3A_75, %dma_wait3A_82] : memref<8x256xf32, #tpu.memory_space<hbm>> -> memref<1x256xf32, #tpu.memory_space<hbm>>
        %dma_wait3A_84 = tpu.memref_squeeze %dma_wait3A_83 : memref<1x256xf32, #tpu.memory_space<hbm>> -> memref<256xf32, #tpu.memory_space<hbm>>
        %dma_wait3A_85 = arith.constant 0 : i32
        %dma_wait3A_86 = tpu.memref_slice %arg4[%add3A_75, %dma_wait3A_85] : memref<8x256xf32, #tpu.memory_space<hbm>> -> memref<1x256xf32, #tpu.memory_space<hbm>>
        %dma_wait3A_87 = tpu.memref_squeeze %dma_wait3A_86 : memref<1x256xf32, #tpu.memory_space<hbm>> -> memref<256xf32, #tpu.memory_space<hbm>>
        tpu.wait_dma2 semaphore(%run_scoped3A : memref<!tpu.dma_semaphore, #tpu.memory_space<semaphore_mem>>) src(%arg10 : memref<256xf32, #tpu.memory_space<vmem>>) dst(%dma_wait3A_87 : memref<256xf32, #tpu.memory_space<hbm>>)
        tpu.yield
      }) : () -> ()
    } else {
    }
    return
  }
}

</mosaic_0001>

<sc_bundles>
// kernel: _soft_hist.3.cloned.1.call-start
scs
__scs_entry_jumppad:
0x0: {  	(pc) =	sbr.rel $0x88, $3  }
0x1: {  	(tag) =	ssettag $0x0;
	lr =	simm.s32 $0x1  }
0x2: {  	[smem:$0x3F9F] =	sst lr;
	_ =	strace $0xD0000000  }
0x3: {  	_ = 	snop  }
0x4: {  	_ = 	snop  }
0x5: {  	_ = 	snop  }
0x6: {  	_ = 	snop  }
0x7: {  	_ = 	snop  }
__scs_overlays_trampoline_lowered:
0x8: {  	[smem:$0x3FAE] =	sst s0  }
0x9: {  	[smem:$0x3FAF] =	sst s1  }
0xa: {  	[smem:$0x3FB0] =	sst s2  }
0xb: {  	[smem:$0x3FB1] =	sst s3  }
0xc: {  	[smem:$0x3FB2] =	sst s4  }
0xd: {  	[smem:$0x3FB3] =	sst s5  }
0xe: {  	[smem:$0x3FB4] =	sst s6  }
0xf: {  	[smem:$0x3FB5] =	sst s7  }
0x10: {  	[smem:$0x3FB6] =	sst s8  }
0x11: {  	[smem:$0x3FB7] =	sst s9;
	s0 =	simm.s32 @!p0 $0x0  }
0x12: {  	s1 =	sld [smem:$0x3F9D];
	s0 =	simm.s32 @p0 $0x1  }
0x13: {  	[smem:$0x3FB8] =	sst s0;
	s0 =	simm.s32 @!p1 $0x0  }
0x14: {  	s2 =	sld [smem:$0x3F9C];
	s0 =	simm.s32 @p1 $0x1  }
0x15: {  	[smem:$0x3FB9] =	sst s0;
	s0 =	simm.s32 @!p2 $0x0  }
0x16: {  	s3 =	sld [smem:$0x3FDB];
	s0 =	simm.s32 @p2 $0x1  }
0x17: {  	s4 =	simm.s32 $0x1BF5;
	[smem:$0x3FBB] =	sst s0  }
0x18: {  	s0 =	sld [smem:$0x3F9E];
	_ =	swait.ge [sflag:s4], $0x0  }
0x19: {  	s7 =	sld [smem:$0x3F9F]  }
0x1a: {  	s8 =	sadd.s32 $0xFFFFE003, lr  }
0x1b: {  	s9 =	sadd.s32 $0xFFFFFEF7, lr;
	s5 =	simm.s32 $0xFFFFFFFF;
	p2 =	slt.u32 s8, $0xFFFFF086  }
0x1c: {  	p1 =	slt.u32 s9, $0xF7A;
	s5 =	simm.s32 @!p2 $0x0  }
0x1d: {  	s5 =	simm.s32 @p1 $0x1;
	p0 =	seq.s32 s7, s2  }
0x1e: {  	s7 =	smul.u32 @!p0 $0xF7A, s2;
	p2 =	seq.s32 @!p0 s5, $0x0  }
0x1f: {  	s9 =	smul.u32 $0xF7A, s1;
	s8 =	simm.s32 @!p0 $0x1BF5;
	p2 =	por !p2, p0  }
0x20: {  	[sflag:s8] =	ssyncset.s32 @!p0 $0xFFFFF086;
	s6 =	sadd.s32 @!p0 s3, s7;
	s7 =	simm.s32 @!p0 $0x108  }
0x21: {  	s3 =	sadd.s32 s3, s9;
	s6 =	sadd.s32 @!p0 $0x88, s6;
	s7 =	simm.s32 @p2 $0x1082  }
0x22: {  	[simem:s7], [sflag:s8] =	dma.local @!p0 [hbm:s6], $0xF7A  }
0x23: {  	s9 =	sor.u32 $0xD0000000, s2;
	s6 =	simm.s32 $0x108;
	_ =	swait.ge @!p0 [sflag:s8], $0x0  }
0x24: {  	s3 =	sadd.s32 $0x88, s3;
	s6 =	simm.s32 @!p1 $0x1082;
	[sflag:s4] =	ssyncset.s32 $0xFFFFF086  }
0x25: {  	[simem:s6], [sflag:s4] =	dma.local [hbm:s3], $0xF7A  }
0x26: {  	[smem:$0x3F9F] =	sst s1;
	(tag) =	ssettag s2;
	_ =	strace s9  }
0x27: {  	s1 =	sld [smem:$0x3FAF]  }
0x28: {  	s2 =	sld [smem:$0x3FB0]  }
0x29: {  	s4 =	sld [smem:$0x3FB2]  }
0x2a: {  	p0 =	seq.s32 s5, $0x0;
	s5 =	sld [smem:$0x3FB3]  }
0x2b: {  	s6 =	sld [smem:$0x3FB4]  }
0x2c: {  	s7 =	sld [smem:$0x3FB5]  }
0x2d: {  	s3 =	simm.s32 $0x108;
	s8 =	sld [smem:$0x3FB6]  }
0x2e: {  	s3 =	simm.s32 @!p0 $0x1082;
	s9 =	sld [smem:$0x3FB7]  }
0x2f: {  	lr =	sadd.s32 s0, s3;
	s0 =	sld [smem:$0x3FAE]  }
0x30: {  	s3 =	sld [smem:$0x3FB1]  }
0x31: {  	[smem:$0x3FBA] =	sst s10  }
0x32: {  	s10 =	sld [smem:$0x3FB8];
	_ =	sdelay $0x3  }
0x33: {  	p0 =	seq.s32 s10, $0x1;
	s10 =	sld [smem:$0x3FBA];
	_ =	sdelay $0x3  }
0x34: {  	[smem:$0x3FBA] =	sst s10  }
0x35: {  	s10 =	sld [smem:$0x3FB9];
	_ =	sdelay $0x3  }
0x36: {  	p1 =	seq.s32 s10, $0x1;
	s10 =	sld [smem:$0x3FBA];
	_ =	sdelay $0x3  }
0x37: {  	[smem:$0x3FBA] =	sst s10  }
0x38: {  	s10 =	sld [smem:$0x3FBB]  }
0x39: {  	_ = 	snop;
	(pc) =	sbr.ind lr, $3  }
0x3a: {  	_ = 	snop  }
0x3b: {  	_ = 	snop  }
0x3c: {  	p2 =	seq.s32 s10, $0x1;
	s10 =	sld [smem:$0x3FBA]  }
0x3d: {  	_ =	shalt  }
0x3e: {  	_ =	shalt  }
0x3f: {  	_ =	shalt  }
0x40: {  	_ =	shalt  }
0x41: {  	_ =	shalt  }
0x42: {  	_ =	shalt  }
0x43: {  	_ =	shalt  }
0x44: {  	_ =	shalt  }
0x45: {  	_ =	shalt  }
0x46: {  	_ =	shalt  }
0x47: {  	_ =	shalt  }
0x48: {  	_ =	shalt  }
0x49: {  	_ =	shalt  }
0x4a: {  	_ =	shalt  }
0x4b: {  	_ =	shalt  }
0x4c: {  	_ =	shalt  }
0x4d: {  	_ =	shalt  }
0x4e: {  	_ =	shalt  }
0x4f: {  	_ =	shalt  }
0x50: {  	_ =	shalt  }
0x51: {  	_ =	shalt  }
0x52: {  	_ =	shalt  }
0x53: {  	_ =	shalt  }
0x54: {  	_ =	shalt  }
0x55: {  	_ =	shalt  }
0x56: {  	_ =	shalt  }
0x57: {  	_ =	shalt  }
0x58: {  	_ =	shalt  }
0x59: {  	_ =	shalt  }
0x5a: {  	_ =	shalt  }
0x5b: {  	_ =	shalt  }
0x5c: {  	_ =	shalt  }
0x5d: {  	_ =	shalt  }
0x5e: {  	_ =	shalt  }
0x5f: {  	_ =	shalt  }
0x60: {  	_ =	shalt  }
0x61: {  	_ =	shalt  }
0x62: {  	_ =	shalt  }
0x63: {  	_ =	shalt  }
0x64: {  	_ =	shalt  }
0x65: {  	_ =	shalt  }
0x66: {  	_ =	shalt  }
0x67: {  	_ =	shalt  }
0x68: {  	_ =	shalt  }
0x69: {  	_ =	shalt  }
0x6a: {  	_ =	shalt  }
0x6b: {  	_ =	shalt  }
0x6c: {  	_ =	shalt  }
0x6d: {  	_ =	shalt  }
0x6e: {  	_ =	shalt  }
0x6f: {  	_ =	shalt  }
0x70: {  	_ =	shalt  }
0x71: {  	_ =	shalt  }
0x72: {  	_ =	shalt  }
0x73: {  	_ =	shalt  }
0x74: {  	_ =	shalt  }
0x75: {  	_ =	shalt  }
0x76: {  	_ =	shalt  }
0x77: {  	_ =	shalt  }
0x78: {  	_ =	shalt  }
0x79: {  	_ =	shalt  }
0x7a: {  	_ =	shalt  }
0x7b: {  	_ =	shalt  }
0x7c: {  	_ =	shalt  }
0x7d: {  	_ =	shalt  }
0x7e: {  	_ =	shalt  }
0x7f: {  	_ =	shalt  }
0x80: {  	_ =	shalt  }
0x81: {  	_ =	shalt  }
0x82: {  	_ =	shalt  }
0x83: {  	_ =	shalt  }
0x84: {  	_ =	shalt  }
0x85: {  	_ =	shalt  }
0x86: {  	_ =	shalt  }
0x87: {  	_ =	shalt  }
.Lfunc_end0:
.L_simem_size_0:
called_computation_lowered:
.L_overlay_start_0:
0x88: {  	s2 =	sld [smem:$0x3FD9]  }
0x89: {  	s3 =	sld [smem:$0x3FFE];
	_ =	sdelay $0x1  }
0x8a: {  	s1 =	srdreg.scid  }
0x8b: {  	s0 =	sand.u32 $0x1, s1  }
0x8c: {  	s18 =	sshll.u32 s0, $0xA;
	s2 =	sadd.s32 s3, s2  }
0x8d: {  	s2 =	sadd.s32 s2, s18  }
0x8e: {  	[smem:$0x3FC6] =	sst s2  }
0x8f: {  	_ = 	snop  }
0x90: {  	s2 =	sld [smem:$0x3FC9]  }
0x91: {  	s19 =	sld [smem:$0x3FC8]  }
0x92: {  	s4 =	sld [smem:$0x3FD0];
	(tm) =	ssettm $0x1  }
0x93: {  	s5 =	sld [smem:$0x3FFB];
	_ =	sdelay $0x3  }
0x94: {  	_ =	strace s5  }
0x95: {  	s5 =	sld [smem:$0x3FFC];
	_ =	sdelay $0x3  }
0x96: {  	_ =	strace s5  }
0x97: {  	s5 =	sld [smem:$0x3FFD];
	_ =	sdelay $0x3  }
0x98: {  	_ =	strace s5  }
0x99: {  	_ =	strace $0x8FFFFFFF  }
0x9a: {  	s20 =	sld [smem:$0x3FDB];
	_ =	sdelay $0x1  }
0x9b: {  	s6 =	simm.s32 $_scs_section_size  }
0x9c: {  	s7 =	simm.s32 $_size__tile_overlayer_lowered;
	s8 =	simm.s32 $_tile_overlayer_lowered  }
0x9d: {  	s23 =	simm.s32 $0x1BFF;
	s22 =	sshll.u32 s8, $0x1;
	s5 =	sadd.s32 s6, s20  }
0x9e: {  	s9 =	simm.s32 $0x0;
	s21 =	sshll.u32 s7, $0x1;
	s7 =	sadd.s32 s22, s5  }
0x9f: {  	[timem:s9], [sflag:s23] =	dma.local [hbm:s7], s21  }
0xa0: {  	_ =	swait.ge [sflag:s23], s21  }
0xa1: {  	s6 =	ssub.s32 $0x0, s21;
	[sflag:s23] =	ssyncset.done $0x0  }
0xa2: {  	[sflag:s23] =	ssyncadd.s32 s6;
	_ =	sdelay $0x1  }
0xa3: {  	s24 =	simm.s32 $0x1B8B  }
0xa4: {  	_ =	swait.ge [sflag:s24], $0x1  }
0xa5: {  	[sflag:s24] =	ssyncset.done $0x0  }
0xa6: {  	s25 =	simm.s32 $0x1B8E;
	[sflag:s24] =	ssyncadd.s32 $0xFFFFFFFF  }
0xa7: {  	s26 =	simm.s32 $execute0_lowered;
	[smem:$0x3FD2] =	sst s25  }
0xa8: {  	s6 =	sshll.u32 s26, $0x1;
	_ =	strace $0x80000046;
	[dreg:$0x1] =	wrdreg $0xFFFFFFFF  }
0xa9: {  	s28 =	simm.s32 $_size_execute0_lowered;
	s5 =	sadd.s32 s5, s6;
	[dreg:$0x0] =	wrdreg $0x0  }
0xaa: {  	s6 =	sshll.u32 s28, $0x1;
	[dreg:$0x2] =	wrdreg s5  }
0xab: {  	[dreg:$0x3] =	wrdreg s6  }
0xac: {  	[dreg:$0x4] =	wrdreg $0xC0  }
0xad: {  	_ =	task [dreg:s9], $0x5FFFF  }
0xae: {  	[dreg:$0x1] =	wrdreg $0xFFFFFFFF  }
0xaf: {  	[dreg:$0x0] =	wrdreg $0x60  }
0xb0: {  	[dreg:$0x2] =	wrdreg s2  }
0xb1: {  	[dreg:$0x3] =	wrdreg s19  }
0xb2: {  	[dreg:$0x4] =	wrdreg s4  }
0xb3: {  	[dreg:$0x5] =	wrdreg $0x56800  }
0xb4: {  	[dreg:$0x6] =	wrdreg $0x9  }
0xb5: {  	_ =	task.clear_ibuf [dreg:s9], $0x7FFFF;
	_ =	strace $0x90000046  }
0xb6: {  	s29 =	simm.s32 $0x9;
	_ =	strace $0x80000048  }
0xb7: {  	_ =	swait.ge [sflag:s29], $0x1  }
0xb8: {  	[sflag:s29] =	ssyncadd.s32 $0xFFFFFFFF  }
0xb9: {  	_ =	strace $0x90000048  }
0xba: {  	_ =	sfence  }
0xbb: {  	s30 =	sld [smem:$0x0];
	_ =	sdelay $0x2  }
0xbc: {  	s31 =	sshll.u32 s1, $0xD;
	s1 =	sshrl.u32 s1, $0x2  }
0xbd: {  	s3 =	sand.u32 $0x4000, s31;
	s1 =	sadd.s32 s1, s30  }
0xbe: {  	s0 =	sor.u32 s3, s0;
	s1 =	sshll.u32 s1, $0x11  }
0xbf: {  	s0 =	sor.u32 s1, s0  }
0xc0: {  	s0 =	sadd.s32 $0x8F2B, s0  }
0xc1: {  	[sflag:s0] =	ssyncadd.remote.s32 $0x1  }
0xc2: {  	_ =	sfence.sel $0xFFFF  }
0xc3: {  	[dreg:$0x0] =	wrdreg $0xFFFFFFFF;
	(pc) =	sbr.abs _section_cstart, $3  }
0xc4: {  	[dreg:$0x1] =	wrdreg $0xFFFFFFFF  }
0xc5: {  	_ =	task.clear_ibuf [dreg:s9], $0x2FFFF;
	_ =	strace $0x9FFFFFFF  }
0xc6: {  	(tm) =	ssettm $0x7FFFFFFF  }
0xc7: {  	_ =	shalt  }
tec
execute0_lowered:
.L_overlay_start_1:
0x0: {  	(tag) =	ssettag $0x1  }
0x1: {  	s3 =	rddreg [dreg:$0x0]  }
0x2: {  	s4 =	rddreg [dreg:$0x1]  }
0x3: {  	s7 =	rddreg [dreg:$0x2];
	s0 =	srdreg.scid  }
0x4: {  	s5 =	rddreg [dreg:$0x3];
	s1 =	stileid.u32;
	s2 =	simm.s32 $0x0  }
0x5: {  	s13 =	simm.s32 $0x2;
	s14 =	simm.s32 $0x4000;
	s15 =	simm.s32 $0x5080  }
0x6: {  	s16 =	simm.s32 $0x3;
	s17 =	simm.s32 $0x200;
	s18 =	simm.s32 $0x5180  }
0x7: {  	s19 =	simm.s32 $0x5580;
	s20 =	simm.s32 $0x0;
	s6 =	sand.u32 $0x1, s0  }
0x8: {  	s9 =	sshrl.u32 s1, $0x2;
	s10 =	sshll.u32 s1, $0xD;
	[smem:$0x7FF] =	sst s2  }
0x9: {  	s29 =	sshll.u32 s1, $0x8;
	s30 =	sshll.u32 s1, $0x7;
	s31 =	sshll.u32 s1, $0xA  }
0xa: {  	s12 =	sshll.u32 s1, $0x9;
	p0 =	sgt.u32 s1, $0x3;
	s8 =	sshll.u32 s6, $0x2  }
0xb: {  	s6 =	ssub.s32 $0x2, s6;
	s10 =	sand.u32 $0x6000, s10;
	_ =	strace $0x80000047  }
0xc: {  	s12 =	sand.u32 $0x200, s12;
	s9 =	sor.u32 s9, s8;
	s11 =	sshrl.u32 s6, $0x1  }
0xd: {  	s8 =	sadd.s32 s1, s8;
	s9 =	sshll.u32 s9, $0x4;
	s28 =	ssub.s32 s6, s11  }
0xe: {  	s6 =	sand.u32 $0x800, s29;
	s11 =	sand.u32 $0x800, s31;
	s8 =	sshll.u32 s8, $0x4  }
.Ltmp0:
0xf: {  	s9 =	sor.u32 s10, s9;
	s6 =	sadd.s32 s6, s5;
	(pc) =	sbr.rel .LBB2_1-.Ltmp0, $4  }
0x10: {  	v0 =	vlaneseq.u32;
	s11 =	sadd.s32 s11, s5;
	s7 =	sadd.s32 s7, s8;
	s8 =	smax.u32 s28, $0x1  }
0x11: {  	v0 =	vmul.u32 $0x102, v0;
	s3 =	sadd.s32 s3, s9;
	s4 =	sadd.s32 s4, s9;
	s9 =	sand.u32 $0x380, s30  }
0x12: {  	s10 =	simm.s32 $0x400;
	s5 =	sadd.s32 s9, s6;
	s6 =	sadd.s32 s12, s11  }
0x13: {  	v1 =	vimm.f32 $0.0e+00;
	v2 =	vor.u32 $0x1, v0;
	s9 =	simm.s32 $0x80;
	s11 =	simm.s32 $0x2000;
	s12 =	simm.s32 $0x1  }
.LBB2_12:
0x14: {  	v10 =	vld [tilespmem:s26+$0x80];
	_ =	sdelay $0x1  }
0x15: {  	v11 =	vld [tilespmem:s26+$0x100]  }
0x16: {  	v12 =	vld [tilespmem:s29+$0x180]  }
0x17: {  	v5 =	vadd.f32 v6, v5;
	v63 =	vld [tilespmem:s26+$0x180]  }
0x18: {  	v4 =	vadd.f32 v10, v4  }
0x19: {  	v5 =	vadd.f32 v7, v5  }
0x1a: {  	v3 =	vadd.f32 v3, v9;
	v4 =	vadd.f32 v11, v4  }
0x1b: {  	[tilespmem:s30+$0x5580] =	vst v8;
	s0 =	sand.u32 $0x80, s28;
	v5 =	vadd.f32 v12, v5  }
0x1c: {  	s0 =	sor.u32 s21, s0;
	[tilespmem:s25+$0x5580] =	vst v3;
	v3 =	vadd.f32 v63, v4  }
0x1d: {  	[tilespmem:s0+$0x5580] =	vst v5  }
0x1e: {  	[tilespmem:s24+$0x5580] =	vst v3  }
0x1f: {  	[hbm4b:s7+s9] =	stream.strided.scatter [tilespmem:s19], [sflag:$0x3], $0x100, s10, s9, $0x38;
	[tilespmem:$0x5780] =	vst v63  }
0x20: {  	_ =	swait.ge [sflag:s16], $0x100  }
0x21: {  	[sflag:s16] =	ssyncset.done $0x0  }
0x22: {  	[sflag:s16] =	ssyncadd.s32 $0xFFFFFF00  }
.LBB2_13:
0x23: {  	s20 =	sadd.s32 $0x1, s20  }
0x24: {  	p1 =	sne.s32 s20, s8  }
.Ltmp1:
0x25: {  	_ = 	snop;
	(pc) =	sbr.rel @!p1 .LBB2_14-.Ltmp1, $1  }
0x26: {  	_ =	sdelay $0x3  }
.LBB2_1:
0x27: {  	[tilespmem:s2], [sflag:$0x1] =	stream.strided.gather [hbm4b:s3+s9], $0x2000, s10, s9, $0x38;
	[tilespmem:$0x5780] =	vst v63  }
0x28: {  	s22 =	simm.s32 $0x4020  }
0x29: {  	[tilespmem:s11], [sflag:$0x2] =	stream.strided.gather [hbm4b:s4+s9], $0x2000, s10, s9, $0x38;
	[tilespmem:$0x5780] =	vst v63  }
0x2a: {  	[tilespmem:s22+$0xFFFFFFE0] =	vst v1  }
0x2b: {  	[tilespmem:s22+$0x10] =	vst v1  }
0x2c: {  	s24 =	simm.s32 $0x0;
	s21 =	simm.s32 $0x5000;
	[tilespmem:s22+$0x0] =	vst v1  }
.LBB2_2:
0x2d: {  	s24 =	sadd.s32 $0x40, s24  }
0x2e: {  	[tilespmem:s22+$0xFFFFFFF0] =	vst v1;
	s22 =	sadd.s32 $0x40, s22;
	s23 =	simm.s32 $0xFF0;
	p1 =	slt.u32 s24, $0xFC0  }
.Ltmp2:
0x2f: {  	[tilespmem:s22+$0xFFFFFFE0] =	vst v1;
	(pc) =	sbr.rel @p1 .LBB2_2-.Ltmp2, $3  }
0x30: {  	_ =	sdelay $0x1  }
0x31: {  	[tilespmem:s22+$0x10] =	vst v1  }
0x32: {  	[tilespmem:s22+$0x0] =	vst v1  }
0x33: {  	[tilespmem:s22+$0xFFFFFFF0] =	vst v1  }
.LBB2_4:
0x34: {  	s23 =	sadd.s32 $0x10, s23  }
0x35: {  	p1 =	slt.u32 s23, $0x1010  }
.Ltmp3:
0x36: {  	_ = 	snop;
	(pc) =	sbr.rel @p1 .LBB2_4-.Ltmp3, $2  }
0x37: {  	_ =	sdelay $0x2  }
0x38: {  	[tilespmem:s21+$0x0] =	vst v1;
	s21 =	sadd.s32 $0x10, s21  }
0x39: {  	_ =	swait.ge [sflag:s12], $0x2000  }
0x3a: {  	[sflag:s12] =	ssyncset.done $0x0  }
0x3b: {  	[sflag:s12] =	ssyncadd.s32 $0xFFFFE000  }
0x3c: {  	_ =	swait.ge [sflag:s13], $0x2000  }
0x3d: {  	[sflag:s13] =	ssyncset.done $0x0  }
0x3e: {  	s21 =	simm.s32 $0x20;
	[sflag:s13] =	ssyncadd.s32 $0xFFFFE000  }
0x3f: {  	v3 =	vld [tilespmem:s21+$0x10];
	_ =	sdelay $0x4  }
0x40: {  	v3 =	vmul.f32 $2.560000000e+02, v3  }
0x41: {  	v5 =	vld [tilespmem:s21+$0xFFFFFFF0]  }
0x42: {  	v6 =	vld [tilespmem:s21+$0xFFFFFFE0];
	v4 =	vadd.f32 $8.388608000e+06, v3;
	_ =	sdelay $0x1  }
0x43: {  	v7 =	vadd.f32 $-8.388608000e+06, v4  }
0x44: {  	v8 =	vld [tilespmem:s21+$0x0]  }
0x45: {  	v4 =	vsub.f32 v3, v7;
	v3 =	vmul.f32 $2.560000000e+02, v5  }
0x46: {  	v6 =	vmul.f32 $2.560000000e+02, v6  }
0x47: {  	v5 =	vmul.f32 $-3.906250000e+02, v4;
	v9 =	vadd.f32 $8.388608000e+06, v3  }
0x48: {  	v10 =	vadd.f32 $8.388608000e+06, v6  }
0x49: {  	v8 =	vmul.f32 $2.560000000e+02, v8;
	v11 =	vsub.f32 $0.0e+00, v5;
	v12 =	vadd.f32 $-8.388608000e+06, v9  }
0x4a: {  	v13 =	vadd.f32 $-8.388608000e+06, v10  }
0x4b: {  	v10 =	vadd.f32 $8.388608000e+06, v8;
	v9 =	vmin.f32 v5, v11;
	v5 =	vsub.f32 v3, v12  }
0x4c: {  	s31 =	simm.s32 $0x60;
	v3 =	vsub.f32 v6, v13;
	v9 =	vmul.f32 $1.442695020e+00, v9  }
0x4d: {  	v16 =	vld [tilespmem:s31+$0x10];
	v6 =	vadd.f32 $-8.388608000e+06, v10;
	v10 =	vmul.f32 $-3.906250000e+02, v5  }
0x4e: {  	v11 =	vmul.f32 $-3.906250000e+02, v3;
	(erf) = vpow2.f32 v9  }
0x4f: {  	v17 =	vld [tilespmem:s31+$0x0];
	v9 =	vsub.f32 v8, v6  }
0x50: {  	v8 =	vsub.f32 $0.0e+00, v10;
	v14 =	vsub.f32 $0.0e+00, v11  }
0x51: {  	v15 =	vmul.f32 $-3.906250000e+02, v9  }
0x52: {  	v16 =	vmul.f32 $2.560000000e+02, v16;
	v8 =	vmin.f32 v10, v8;
	v10 =	vmin.f32 v11, v14  }
0x53: {  	v8 =	vmul.f32 $1.442695020e+00, v8;
	v11 =	vsub.f32 $0.0e+00, v15;
	v14 =	vmul.f32 $1.442695020e+00, v10  }
0x54: {  	v17 =	vmul.f32 $2.560000000e+02, v17;
	v7 =	vtrunc.f32 v7  }
0x55: {  	v10 =	vcvt.f32.s32 v7;
	(erf) = vpow2.f32 v8;
	v7 =	vmin.f32 v15, v11;
	v8 =	vld [tilespmem:s31+$0xFFFFFFF0]  }
0x56: {  	v11 =	vtrunc.f32 v12;
	v7 =	vmul.f32 $1.442695020e+00, v7  }
0x57: {  	(erf) = vpow2.f32 v14;
	v12 =	vcvt.f32.s32 v11;
	v11 =	vadd.f32 $8.388608000e+06, v16;
	v14 =	vpop (erf)  }
0x58: {  	v6 =	vtrunc.f32 v6;
	v15 =	vld [tilespmem:s31+$0xFFFFFFE0];
	(erf) = vpow2.f32 v7;
	v18 =	vadd.f32 $1.000000000e+00, v14  }
0x59: {  	v13 =	vtrunc.f32 v13;
	v7 =	vcvt.f32.s32 v6;
	v11 =	vadd.f32 $-8.388608000e+06, v11  }
0x5a: {  	v19 =	vmul.f32 $2.560000000e+02, v8;
	(erf) = vrcp.f32 v18;
	v18 =	vadd.f32 $8.388608000e+06, v17  }
0x5b: {  	v6 =	vcvt.f32.s32 v13;
	v13 =	vtrunc.f32 v11;
	v11 =	vsub.f32 v16, v11  }
0x5c: {  	v22 =	vadd.f32 $8.388608000e+06, v19;
	v20 =	vadd.f32 $-8.388608000e+06, v18  }
0x5d: {  	v8 =	vadd.s32 v0, v10;
	v24 =	vmul.f32 $2.560000000e+02, v15  }
0x5e: {  	v26 =	vmul.f32 $-3.906250000e+02, v11;
	v21 =	vpop (erf);
	v25 =	vadd.f32 $-8.388608000e+06, v22;
	v18 =	vsub.f32 v17, v20  }
0x5f: {  	v13 =	vcvt.f32.s32 v13;
	v16 =	vadd.f32 $8.388608000e+06, v24;
	v28 =	vadd.f32 $1.000000000e+00, v21  }
0x60: {  	v15 =	vpop (erf);
	v17 =	vsub.f32 v19, v25;
	v19 =	vsub.f32 $0.0e+00, v26;
	v27 =	vmul.f32 $-3.906250000e+02, v18  }
0x61: {  	v23 =	vadd.f32 $-8.388608000e+06, v16;
	v22 =	vtrunc.f32 v20;
	v20 =	vpop (erf);
	(erf) = vrcp.f32 v28  }
0x62: {  	v19 =	vmin.f32 v26, v19;
	v26 =	vmul.f32 $-3.906250000e+02, v17;
	v28 =	vsub.f32 $0.0e+00, v27  }
0x63: {  	v31 =	vadd.f32 $1.000000000e+00, v15;
	v16 =	vsub.f32 v24, v23;
	v25 =	vtrunc.f32 v25  }
0x64: {  	v24 =	vpop (erf);
	v30 =	vsub.f32 $0.0e+00, v26;
	v29 =	vmin.f32 v27, v28;
	v28 =	vmul.f32 $1.442695020e+00, v19  }
0x65: {  	v24 =	vmul.f32 v24, v14;
	v27 =	vmul.f32 $-3.906250000e+02, v16;
	v14 =	vadd.s32 v2, v7  }
0x66: {  	v19 =	vcvt.f32.s32 v25;
	v30 =	vmin.f32 v26, v30;
	(erf) = vpow2.f32 v28  }
0x67: {  	s23 =	simm.s32 $0x40;
	v25 =	vmul.f32 $1.442695020e+00, v29;
	v28 =	vadd.f32 $1.000000000e+00, v20;
	v26 =	vsub.f32 $1.000000000e+00, v24  }
0x68: {  	s24 =	simm.s32 $0xA0;
	s22 =	simm.s32 $0x2020;
	s21 =	simm.s32 $0x2020;
	v29 =	vsub.f32 $0.0e+00, v27;
	v30 =	vmul.f32 $1.442695020e+00, v30;
	(erf) = vrcp.f32 v31  }
.LBB2_6:
0x69: {  	v31 =	vld [tilespmem:s24+$0x10];
	s23 =	sadd.s32 $0x40, s23;
	v23 =	vtrunc.f32 v23;
	vm0 =	vge.f32 v9, $0.0e+00;
	s21 =	sadd.s32 $0x40, s21;
	(erf) = vrcp.f32 v28;
	v9 =	vmovc v18  }
0x6a: {  	v22 =	vcvt.f32.s32 v22;
	p1 =	slt.u32 s23, $0x1FC0;
	v18 =	vmin.f32 v27, v29;
	(erf) = vpow2.f32 v30;
	v27 =	vld [tilespmem:s22+$0x10];
	v28 =	vpop (erf)  }
0x6b: {  	v30 =	vadd.s32 v0, v6;
	v29 =	vld [tilespmem:s24+$0xFFFFFFF0];
	v18 =	vmul.f32 $1.442695020e+00, v18;
	v21 =	vmul.f32 v28, v21  }
0x6c: {  	v32 =	vadd.s32 v0, v7;
	v28 =	vadd.s32 v2, v6;
	v6 =	vcvt.f32.s32 v23;
	v7 =	vmovc v22;
	v23 =	vld [tilespmem:s22+$0xFFFFFFF0]  }
0x6d: {  	vm1 =	vge.f32 v3, $0.0e+00;
	v3 =	vmovc v16;
	v22 =	vld [tilespmem:s24+$0x0];
	(erf) = vpow2.f32 v18;
	v18 =	vsub.f32 $1.000000000e+00, v21  }
0x6e: {  	vm2 =	vge.f32 v5, $0.0e+00;
	v33 =	vadd.s32 v2, v12;
	v34 =	vadd.s32 v2, v10;
	v10 =	vmovc v13;
	v5 =	vmovc v17;
	v16 =	vld [tilespmem:s24+$0xFFFFFFE0]  }
0x6f: {  	v17 =	vadd.s32 v0, v10;
	v35 =	vpop (erf);
	v13 =	vsel vm2, v18, v21;
	vm2 =	vge.f32 v4, $0.0e+00  }
0x70: {  	v4 =	vmovc v11;
	v29 =	vmul.f32 $2.560000000e+02, v29;
	v18 =	vadd.f32 $1.000000000e+00, v35;
	v24 =	vsel vm2, v26, v24  }
0x71: {  	v11 =	vmul.f32 $2.560000000e+02, v31;
	v26 =	vadd.s32 v0, v12;
	v13 =	vmul.f32 v13, v23;
	v12 =	vpop (erf)  }
0x72: {  	v31 =	vadd.f32 $8.388608000e+06, v29;
	v22 =	vmul.f32 $2.560000000e+02, v22;
	v36 =	vmul.f32 v12, v15;
	v37 =	vpop (erf)  }
0x73: {  	v38 =	vadd.f32 $8.388608000e+06, v11;
	v24 =	vmul.f32 v24, v27;
	v16 =	vmul.f32 $2.560000000e+02, v16;
	v21 =	vpop (erf);
	[tilespmem:v33+s14+$0x0] =	vst.idx.add.f32.msk $0xffff, v13  }
0x74: {  	v12 =	vmovc v19;
	v13 =	vsub.f32 v23, v13;
	v33 =	vadd.f32 $8.388608000e+06, v22;
	(erf) = vpow2.f32 v25;
	v25 =	vld [tilespmem:s22+$0x0]  }
0x75: {  	v19 =	vadd.f32 $-8.388608000e+06, v38;
	(erf) = vrcp.f32 v18;
	v18 =	vsub.f32 $1.000000000e+00, v36;
	[tilespmem:v34+s14+$0x0] =	vst.idx.add.f32.msk $0xffff, v24  }
0x76: {  	v20 =	vmul.f32 v37, v20;
	v24 =	vsub.f32 v27, v24;
	v23 =	vadd.f32 $-8.388608000e+06, v33;
	v15 =	vpop (erf);
	[tilespmem:v26+s14+$0x0] =	vst.idx.add.f32.msk $0xffff, v13  }
0x77: {  	v11 =	vsub.f32 v11, v19;
	v13 =	vtrunc.f32 v19;
	v19 =	vld [tilespmem:s22+$0xFFFFFFE0];
	v26 =	vsel vm1, v18, v36;
	s22 =	smov.u32 s21  }
0x78: {  	v27 =	vsub.f32 $1.000000000e+00, v20;
	v13 =	vcvt.f32.s32 v13;
	v18 =	vsub.f32 v22, v23;
	[tilespmem:v8+s14+$0x0] =	vst.idx.add.f32.msk $0xffff, v24;
	v8 =	vmovc v17  }
0x79: {  	v33 =	vadd.f32 $1.000000000e+00, v15;
	v17 =	vadd.f32 $8.388608000e+06, v16;
	v22 =	vtrunc.f32 v23  }
0x7a: {  	v31 =	vadd.f32 $-8.388608000e+06, v31;
	v20 =	vsel vm0, v27, v20;
	v24 =	vmul.f32 $-3.906250000e+02, v11  }
0x7b: {  	v34 =	vadd.f32 $1.000000000e+00, v21;
	v23 =	vadd.f32 $-8.388608000e+06, v17;
	v27 =	vmul.f32 $-3.906250000e+02, v18  }
0x7c: {  	v36 =	vmul.f32 v20, v25;
	v17 =	vsub.f32 v29, v31;
	v29 =	vsub.f32 $0.0e+00, v24  }
0x7d: {  	v16 =	vsub.f32 v16, v23;
	v26 =	vmul.f32 v26, v19;
	(erf) = vrcp.f32 v34;
	v20 =	vpop (erf)  }
0x7e: {  	v29 =	vmin.f32 v24, v29;
	v34 =	vsub.f32 $0.0e+00, v27;
	v24 =	vpop (erf);
	[tilespmem:v14+s14+$0x0] =	vst.idx.add.f32.msk $0xffff, v36;
	v14 =	vsub.f32 v25, v36  }
0x7f: {  	v25 =	vmul.f32 $-3.906250000e+02, v17;
	v19 =	vsub.f32 v19, v26;
	v24 =	vmul.f32 v24, v35;
	[tilespmem:v28+s14+$0x0] =	vst.idx.add.f32.msk $0xffff, v26  }
.Ltmp4:
0x80: {  	v26 =	vtrunc.f32 v31;
	v31 =	vmin.f32 v27, v34;
	v28 =	vmul.f32 $1.442695020e+00, v29;
	[tilespmem:v32+s14+$0x0] =	vst.idx.add.f32.msk $0xffff, v14;
	(pc) =	sbr.rel @p1 .LBB2_6-.Ltmp4, $4  }
0x81: {  	v27 =	vmul.f32 $-3.906250000e+02, v16;
	v29 =	vsub.f32 $0.0e+00, v25;
	v14 =	vadd.s32 v2, v7;
	[tilespmem:v30+s14+$0x0] =	vst.idx.add.f32.msk $0xffff, v19  }
0x82: {  	v19 =	vcvt.f32.s32 v26;
	(erf) = vpow2.f32 v28;
	v28 =	vadd.f32 $1.000000000e+00, v20  }
0x83: {  	v26 =	vsub.f32 $1.000000000e+00, v24;
	v30 =	vmin.f32 v25, v29;
	v25 =	vmul.f32 $1.442695020e+00, v31  }
0x84: {  	s24 =	sadd.s32 $0x40, s24;
	v29 =	vsub.f32 $0.0e+00, v27;
	v30 =	vmul.f32 $1.442695020e+00, v30;
	(erf) = vrcp.f32 v33  }
0x85: {  	(erf) = vrcp.f32 v28  }
0x86: {  	(erf) = vpow2.f32 v30;
	v27 =	vmin.f32 v27, v29  }
0x87: {  	v27 =	vmul.f32 $1.442695020e+00, v27;
	_ =	sdelay $0x1  }
0x88: {  	(erf) = vpow2.f32 v27  }
0x89: {  	v49 =	vpop (erf);
	(erf) = vpow2.f32 v25;
	_ =	sdelay $0x1  }
0x8a: {  	v50 =	vpop (erf)  }
0x8b: {  	v31 =	vld [tilespmem:s22+$0xFFFFFFF0];
	v21 =	vmul.f32 v49, v21;
	v51 =	vpop (erf)  }
0x8c: {  	vm1 =	vge.f32 v5, $0.0e+00;
	v52 =	vpop (erf)  }
0x8d: {  	v33 =	vld [tilespmem:s22+$0x10];
	v5 =	vadd.s32 v2, v12;
	v54 =	vsub.f32 $1.000000000e+00, v21;
	v53 =	vadd.f32 $1.000000000e+00, v50;
	v30 =	vpop (erf)  }
0x8e: {  	vm0 =	vge.f32 v9, $0.0e+00;
	vm2 =	vge.f32 v4, $0.0e+00;
	v32 =	vadd.f32 $1.000000000e+00, v30  }
0x8f: {  	v4 =	vadd.s32 v2, v10;
	v10 =	vsel vm1, v54, v21;
	(erf) = vrcp.f32 v53  }
0x90: {  	v57 =	vadd.s32 v0, v12;
	v10 =	vmul.f32 v10, v31;
	(erf) = vrcp.f32 v32;
	v56 =	vpop (erf)  }
0x91: {  	v61 =	vld [tilespmem:s22+$0xFFFFFFE0];
	v55 =	vsel vm2, v26, v24;
	v15 =	vmul.f32 v51, v15;
	v59 =	vadd.f32 $1.000000000e+00, v56;
	v60 =	vpop (erf)  }
0x92: {  	v21 =	vmul.f32 v55, v33;
	[tilespmem:v5+s14+$0x0] =	vst.idx.add.f32.msk $0xffff, v10;
	v5 =	vsub.f32 v31, v10;
	v62 =	vadd.f32 $1.000000000e+00, v60  }
0x93: {  	v58 =	vld [tilespmem:s22+$0x0];
	v20 =	vmul.f32 v52, v20;
	v10 =	vsub.f32 $1.000000000e+00, v15;
	(erf) = vrcp.f32 v59  }
0x94: {  	v9 =	vadd.s32 v2, v6;
	vm11 =	vge.f32 v3, $0.0e+00;
	(erf) = vrcp.f32 v62  }
0x95: {  	v3 =	vsub.f32 v33, v21;
	[tilespmem:v57+s14+$0x0] =	vst.idx.add.f32.msk $0xffff, v5;
	v63 =	vsub.f32 $1.000000000e+00, v20;
	v5 =	vsel vm11, v10, v15  }
0x96: {  	v7 =	vadd.s32 v0, v7;
	v6 =	vadd.s32 v0, v6;
	[tilespmem:v4+s14+$0x0] =	vst.idx.add.f32.msk $0xffff, v21  }
0x97: {  	s21 =	sadd.s32 $0x40, s21;
	[tilespmem:v8+s14+$0x0] =	vst.idx.add.f32.msk $0xffff, v3;
	v4 =	vsel vm0, v63, v20;
	v3 =	vmul.f32 v5, v61  }
0x98: {  	vm12 =	vge.f32 v18, $0.0e+00;
	v37 =	vadd.s32 v2, v13;
	v31 =	vld [tilespmem:s21+$0xFFFFFFF0];
	v4 =	vmul.f32 v4, v58;
	v5 =	vpop (erf)  }
0x99: {  	vm14 =	vge.f32 v11, $0.0e+00;
	v11 =	vadd.s32 v0, v19;
	v8 =	vcvt.f32.s32 v22;
	[tilespmem:v9+s14+$0x0] =	vst.idx.add.f32.msk $0xffff, v3;
	v27 =	vpop (erf)  }
0x9a: {  	vm13 =	vge.f32 v17, $0.0e+00;
	[tilespmem:v14+s14+$0x0] =	vst.idx.add.f32.msk $0xffff, v4;
	v4 =	vsub.f32 v58, v4;
	v9 =	vmul.f32 v27, v30  }
0x9b: {  	v34 =	vld [tilespmem:s21+$0x10];
	v10 =	vtrunc.f32 v23;
	v32 =	vadd.s32 v2, v8;
	v5 =	vmul.f32 v5, v50  }
0x9c: {  	v8 =	vadd.s32 v0, v8;
	[tilespmem:v7+s14+$0x0] =	vst.idx.add.f32.msk $0xffff, v4;
	v4 =	vadd.s32 v2, v19;
	v35 =	vsub.f32 $1.000000000e+00, v9;
	v7 =	vpop (erf)  }
0x9d: {  	v10 =	vcvt.f32.s32 v10;
	v3 =	vsub.f32 v61, v3;
	v33 =	vsub.f32 $1.000000000e+00, v5;
	v38 =	vpop (erf)  }
0x9e: {  	v39 =	vld [tilespmem:s21+$0x0];
	v30 =	vadd.s32 v0, v13;
	v9 =	vsel vm13, v35, v9;
	v18 =	vmul.f32 v38, v60  }
0x9f: {  	v40 =	vld [tilespmem:s21+$0xFFFFFFE0];
	v5 =	vsel vm14, v33, v5;
	v7 =	vmul.f32 v7, v56;
	v9 =	vmul.f32 v9, v31  }
0xa0: {  	v36 =	vadd.s32 v0, v10;
	[tilespmem:v6+s14+$0x0] =	vst.idx.add.f32.msk $0xffff, v3;
	v5 =	vmul.f32 v5, v34;
	v6 =	vsub.f32 $1.000000000e+00, v18  }
0xa1: {  	v3 =	vadd.s32 v2, v10;
	[tilespmem:v4+s14+$0x0] =	vst.idx.add.f32.msk $0xffff, v9;
	v4 =	vsub.f32 v31, v9;
	v9 =	vsub.f32 $1.000000000e+00, v7  }
0xa2: {  	vm15 =	vge.f32 v16, $0.0e+00;
	[tilespmem:v37+s14+$0x0] =	vst.idx.add.f32.msk $0xffff, v5;
	v5 =	vsub.f32 v34, v5;
	v6 =	vsel vm12, v6, v18  }
0xa3: {  	[tilespmem:v11+s14+$0x0] =	vst.idx.add.f32.msk $0xffff, v4;
	v4 =	vsel vm15, v9, v7;
	v6 =	vmul.f32 v6, v39  }
0xa4: {  	[tilespmem:v30+s14+$0x0] =	vst.idx.add.f32.msk $0xffff, v5;
	v4 =	vmul.f32 v4, v40  }
0xa5: {  	[tilespmem:v32+s14+$0x0] =	vst.idx.add.f32.msk $0xffff, v6;
	v5 =	vsub.f32 v39, v6  }
0xa6: {  	[tilespmem:v3+s14+$0x0] =	vst.idx.add.f32.msk $0xffff, v4;
	v3 =	vsub.f32 v40, v4  }
0xa7: {  	[tilespmem:v8+s14+$0x0] =	vst.idx.add.f32.msk $0xffff, v5  }
0xa8: {  	s31 =	simm.s32 $0x4811;
	[tilespmem:v36+s14+$0x0] =	vst.idx.add.f32.msk $0xffff, v3  }
0xa9: {  	v3 =	vld [tilespmem:s31+$0xFFFFF800]  }
0xaa: {  	v4 =	vld [tilespmem:s31+$0xFFFFF902]  }
0xab: {  	v5 =	vld [tilespmem:s31+$0xFFFFF8F2]  }
0xac: {  	v6 =	vld [tilespmem:s31+$0xFFFFFA04]  }
0xad: {  	v7 =	vld [tilespmem:s31+$0xFFFFF7F0]  }
0xae: {  	v8 =	vld [tilespmem:s31+$0xFFFFFB06]  }
0xaf: {  	v9 =	vld [tilespmem:s31+$0xFFFFF9F4]  }
0xb0: {  	v10 =	vld [tilespmem:s31+$0xFFFFFC08]  }
0xb1: {  	v11 =	vld [tilespmem:s31+$0xFFFFFAF6]  }
0xb2: {  	v12 =	vld [tilespmem:s31+$0xFFFFFD0A]  }
0xb3: {  	v13 =	vld [tilespmem:s31+$0xFFFFFBF8]  }
0xb4: {  	v41 =	vld [tilespmem:s31+$0xFFFFFE0C]  }
0xb5: {  	v15 =	vld [tilespmem:s31+$0xFFFFFCFA]  }
0xb6: {  	v42 =	vld [tilespmem:s31+$0xFFFFFF0E]  }
0xb7: {  	v17 =	vld [tilespmem:s31+$0xFFFFFDFC]  }
0xb8: {  	v43 =	vld [tilespmem:s31+$0x10]  }
0xb9: {  	v44 =	vld [tilespmem:s31+$0xFFFFFEFE]  }
0xba: {  	v45 =	vld [tilespmem:s31+$0x112]  }
0xbb: {  	v46 =	vld [tilespmem:s31+$0x0]  }
0xbc: {  	v47 =	vld [tilespmem:s31+$0x214]  }
0xbd: {  	v48 =	vld [tilespmem:s31+$0x102]  }
0xbe: {  	v49 =	vld [tilespmem:s31+$0x316]  }
0xbf: {  	v50 =	vld [tilespmem:s31+$0x204]  }
0xc0: {  	v51 =	vld [tilespmem:s31+$0x418]  }
0xc1: {  	v52 =	vld [tilespmem:s31+$0x306]  }
0xc2: {  	v53 =	vld [tilespmem:s31+$0x51A]  }
0xc3: {  	v54 =	vld [tilespmem:s31+$0x408]  }
0xc4: {  	v55 =	vld [tilespmem:s31+$0x61C]  }
0xc5: {  	v56 =	vld [tilespmem:s31+$0x50A]  }
0xc6: {  	v57 =	vld [tilespmem:s31+$0x71E]  }
0xc7: {  	v58 =	vld [tilespmem:s31+$0x60C]  }
0xc8: {  	s23 =	simm.s32 $0x4831;
	v34 =	vld [tilespmem:s31+$0x70E];
	v3 =	vadd.f32 v4, v3  }
0xc9: {  	v4 =	vadd.f32 v5, v7;
	v5 =	vld [tilespmem:s23+$0xFFFFF800]  }
0xca: {  	v7 =	vld [tilespmem:s23+$0xFFFFF902];
	v3 =	vadd.f32 v6, v3  }
0xcb: {  	v4 =	vadd.f32 v9, v4;
	v6 =	vld [tilespmem:s23+$0xFFFFF8F2]  }
0xcc: {  	v9 =	vld [tilespmem:s23+$0xFFFFFA04];
	v3 =	vadd.f32 v8, v3  }
0xcd: {  	v4 =	vadd.f32 v11, v4;
	v8 =	vld [tilespmem:s23+$0xFFFFF7F0]  }
0xce: {  	v11 =	vld [tilespmem:s23+$0xFFFFFB06];
	v3 =	vadd.f32 v10, v3  }
0xcf: {  	v5 =	vadd.f32 v7, v5;
	v4 =	vadd.f32 v13, v4;
	v10 =	vld [tilespmem:s23+$0xFFFFF9F4]  }
0xd0: {  	v7 =	vld [tilespmem:s23+$0xFFFFFC08];
	v3 =	vadd.f32 v12, v3  }
0xd1: {  	v59 =	vld [tilespmem:s23+$0xFFFFFAF6];
	v5 =	vadd.f32 v9, v5;
	v4 =	vadd.f32 v15, v4  }
0xd2: {  	v6 =	vadd.f32 v6, v8;
	v8 =	vld [tilespmem:s23+$0xFFFFFD0A];
	v3 =	vadd.f32 v41, v3  }
0xd3: {  	v9 =	vld [tilespmem:s23+$0xFFFFFBF8];
	v5 =	vadd.f32 v11, v5;
	v4 =	vadd.f32 v17, v4  }
0xd4: {  	v6 =	vadd.f32 v10, v6;
	v10 =	vld [tilespmem:s23+$0xFFFFFE0C];
	v3 =	vadd.f32 v42, v3  }
0xd5: {  	v11 =	vld [tilespmem:s23+$0xFFFFFCFA];
	v5 =	vadd.f32 v7, v5;
	v4 =	vadd.f32 v44, v4  }
0xd6: {  	v7 =	vld [tilespmem:s23+$0xFFFFFF0E];
	v6 =	vadd.f32 v59, v6;
	v3 =	vadd.f32 v43, v3  }
0xd7: {  	v60 =	vld [tilespmem:s23+$0xFFFFFDFC];
	v4 =	vadd.f32 v46, v4;
	v5 =	vadd.f32 v8, v5  }
0xd8: {  	v8 =	vld [tilespmem:s23+$0x10];
	v6 =	vadd.f32 v9, v6;
	v3 =	vadd.f32 v45, v3  }
0xd9: {  	v9 =	vld [tilespmem:s23+$0xFFFFFEFE];
	v4 =	vadd.f32 v48, v4;
	v5 =	vadd.f32 v10, v5  }
0xda: {  	v10 =	vld [tilespmem:s23+$0x112];
	v6 =	vadd.f32 v11, v6;
	v3 =	vadd.f32 v47, v3  }
0xdb: {  	v11 =	vld [tilespmem:s23+$0x0];
	v4 =	vadd.f32 v50, v4;
	v5 =	vadd.f32 v7, v5  }
0xdc: {  	v7 =	vld [tilespmem:s23+$0x214];
	v6 =	vadd.f32 v60, v6;
	v3 =	vadd.f32 v49, v3  }
0xdd: {  	v61 =	vld [tilespmem:s23+$0x102];
	v4 =	vadd.f32 v52, v4;
	v5 =	vadd.f32 v8, v5  }
0xde: {  	v8 =	vld [tilespmem:s23+$0x316];
	v6 =	vadd.f32 v9, v6;
	v3 =	vadd.f32 v51, v3  }
0xdf: {  	v9 =	vld [tilespmem:s23+$0x204];
	v4 =	vadd.f32 v54, v4;
	v5 =	vadd.f32 v10, v5  }
0xe0: {  	v10 =	vld [tilespmem:s23+$0x418];
	v6 =	vadd.f32 v11, v6;
	v3 =	vadd.f32 v53, v3  }
0xe1: {  	v11 =	vld [tilespmem:s23+$0x306];
	v4 =	vadd.f32 v56, v4;
	v5 =	vadd.f32 v7, v5  }
0xe2: {  	v62 =	vld [tilespmem:s23+$0x51A];
	v6 =	vadd.f32 v61, v6;
	v7 =	vadd.f32 v55, v3  }
0xe3: {  	v63 =	vld [tilespmem:s23+$0x408];
	v4 =	vadd.f32 v58, v4;
	v5 =	vadd.f32 v8, v5  }
0xe4: {  	v3 =	vld [tilespmem:s23+$0x61C];
	v6 =	vadd.f32 v9, v6;
	v7 =	vadd.f32 v57, v7  }
0xe5: {  	s21 =	simm.s32 $0x5090;
	v8 =	vadd.f32 v34, v4;
	v4 =	vld [tilespmem:s23+$0x50A];
	v9 =	vadd.f32 v10, v5  }
0xe6: {  	v5 =	vld [tilespmem:s23+$0x71E];
	v6 =	vadd.f32 v11, v6;
	[tilespmem:s21+$0x0] =	vst v7  }
0xe7: {  	v7 =	vld [tilespmem:s23+$0x60C];
	[tilespmem:s21+$0xFFFFFFF0] =	vst v8;
	v8 =	vadd.f32 v62, v9  }
0xe8: {  	s22 =	simm.s32 $0x20;
	v9 =	vadd.f32 v63, v6;
	v6 =	vld [tilespmem:s23+$0x70E];
	s23 =	simm.s32 $0x4851  }
.LBB2_8:
0xe9: {  	v10 =	vld [tilespmem:s23+$0xFFFFF800];
	v3 =	vadd.f32 v3, v8  }
0xea: {  	s22 =	sadd.s32 $0x20, s22;
	v8 =	vld [tilespmem:s23+$0xFFFFF902];
	v4 =	vadd.f32 v4, v9  }
0xeb: {  	p1 =	slt.u32 s22, $0xE0;
	v9 =	vld [tilespmem:s23+$0xFFFFF8F2];
	v3 =	vadd.f32 v5, v3  }
0xec: {  	s21 =	sadd.s32 $0x20, s21;
	v5 =	vld [tilespmem:s23+$0xFFFFFA04];
	v4 =	vadd.f32 v7, v4  }
0xed: {  	v7 =	vld [tilespmem:s23+$0xFFFFF7F0];
	[tilespmem:s21+$0x0] =	vst v3  }
0xee: {  	v3 =	vld [tilespmem:s23+$0xFFFFFB06];
	v4 =	vadd.f32 v6, v4  }
0xef: {  	v6 =	vld [tilespmem:s23+$0xFFFFF9F4];
	v8 =	vadd.f32 v8, v10  }
0xf0: {  	v10 =	vld [tilespmem:s23+$0xFFFFFC08];
	[tilespmem:s21+$0xFFFFFFF0] =	vst v4  }
0xf1: {  	v4 =	vld [tilespmem:s23+$0xFFFFFAF6];
	v5 =	vadd.f32 v5, v8  }
0xf2: {  	v7 =	vadd.f32 v9, v7;
	v8 =	vld [tilespmem:s23+$0xFFFFFD0A]  }
0xf3: {  	v9 =	vld [tilespmem:s23+$0xFFFFFBF8];
	v3 =	vadd.f32 v3, v5  }
0xf4: {  	v5 =	vadd.f32 v6, v7;
	v6 =	vld [tilespmem:s23+$0xFFFFFE0C]  }
0xf5: {  	v7 =	vld [tilespmem:s23+$0xFFFFFCFA];
	v3 =	vadd.f32 v10, v3  }
0xf6: {  	v4 =	vadd.f32 v4, v5;
	v5 =	vld [tilespmem:s23+$0xFFFFFF0E]  }
0xf7: {  	v10 =	vld [tilespmem:s23+$0xFFFFFDFC];
	v3 =	vadd.f32 v8, v3  }
0xf8: {  	v4 =	vadd.f32 v9, v4;
	v8 =	vld [tilespmem:s23+$0x10]  }
0xf9: {  	v9 =	vld [tilespmem:s23+$0xFFFFFEFE];
	v3 =	vadd.f32 v6, v3  }
0xfa: {  	v4 =	vadd.f32 v7, v4;
	v6 =	vld [tilespmem:s23+$0x112]  }
0xfb: {  	v7 =	vld [tilespmem:s23+$0x0];
	v3 =	vadd.f32 v5, v3  }
0xfc: {  	v4 =	vadd.f32 v10, v4;
	v5 =	vld [tilespmem:s23+$0x214]  }
0xfd: {  	v10 =	vld [tilespmem:s23+$0x102];
	v3 =	vadd.f32 v8, v3  }
0xfe: {  	v4 =	vadd.f32 v9, v4;
	v8 =	vld [tilespmem:s23+$0x316]  }
0xff: {  	v9 =	vld [tilespmem:s23+$0x204];
	v3 =	vadd.f32 v6, v3  }
0x100: {  	v4 =	vadd.f32 v7, v4;
	v6 =	vld [tilespmem:s23+$0x418]  }
0x101: {  	v7 =	vld [tilespmem:s23+$0x306];
	v3 =	vadd.f32 v5, v3  }
0x102: {  	v4 =	vadd.f32 v10, v4;
	v10 =	vld [tilespmem:s23+$0x51A]  }
0x103: {  	v11 =	vld [tilespmem:s23+$0x408];
	v5 =	vadd.f32 v8, v3  }
.Ltmp5:
0x104: {  	v8 =	vadd.f32 v9, v4;
	v3 =	vld [tilespmem:s23+$0x61C];
	(pc) =	sbr.rel @p1 .LBB2_8-.Ltmp5, $4  }
0x105: {  	v4 =	vld [tilespmem:s23+$0x50A];
	v6 =	vadd.f32 v6, v5  }
0x106: {  	v9 =	vadd.f32 v7, v8;
	v5 =	vld [tilespmem:s23+$0x71E]  }
0x107: {  	v7 =	vld [tilespmem:s23+$0x60C];
	v8 =	vadd.f32 v10, v6  }
0x108: {  	v9 =	vadd.f32 v11, v9;
	v6 =	vld [tilespmem:s23+$0x70E];
	s23 =	sadd.s32 $0x20, s23  }
0x109: {  	_ = 	snop  }
0x10a: {  	v4 =	vadd.f32 v4, v9  }
0x10b: {  	v3 =	vadd.f32 v3, v8  }
0x10c: {  	v4 =	vadd.f32 v7, v4  }
0x10d: {  	v3 =	vadd.f32 v5, v3  }
0x10e: {  	s21 =	sadd.s32 $0x20, s21;
	v4 =	vadd.f32 v6, v4  }
0x10f: {  	[tilespmem:s21+$0x0] =	vst v3  }
0x110: {  	[tilespmem:s21+$0xFFFFFFF0] =	vst v4  }
0x111: {  	[spmem:s5] =	stream.strided.scatter [tilespmem:s15], [sflag:$0x3], $0x100, s10, s9, $0x38;
	[tilespmem:$0x5780] =	vst v63  }
.Ltmp6:
0x112: {  	_ =	swait.ge [sflag:s16], $0x100;
	(pc) =	sbr.rel @p0 .LBB2_13-.Ltmp6, $3  }
0x113: {  	[sflag:s16] =	ssyncset.done $0x0  }
0x114: {  	[sflag:s16] =	ssyncadd.s32 $0xFFFFFF00  }
0x115: {  	[bflag:$0x0] =	sbarrier.arrive $0xFFFF;
	_ =	sdelay $0x1  }
0x116: {  	[tilespmem:s18], [sflag:$0x3] =	stream.strided.gather [spmem:s6], $0x400, s10, s17, $0x38;
	[tilespmem:$0x5780] =	vst v63  }
0x117: {  	s21 =	simm.s32 $0x0;
	s24 =	simm.s32 $0x0  }
0x118: {  	_ =	swait.ge [sflag:s16], $0x400;
	s22 =	sand.u32 $0x60, s24;
	s21 =	sand.u32 $0x200, s21  }
0x119: {  	[sflag:s16] =	ssyncset.done $0x0;
	s21 =	sor.u32 $0x5180, s21;
	s28 =	sor.u32 $0x10, s22  }
0x11a: {  	[sflag:s16] =	ssyncadd.s32 $0xFFFFFC00;
	s25 =	sor.u32 s28, s21  }
0x11b: {  	v3 =	vld [tilespmem:s25+$0x0]  }
0x11c: {  	s26 =	sor.u32 s22, s21;
	v4 =	vld [tilespmem:s25+$0x80]  }
0x11d: {  	v7 =	vld [tilespmem:s26+$0x0]  }
0x11e: {  	s23 =	simm.s32 $0x80;
	s22 =	simm.s32 $0x20;
	v6 =	vld [tilespmem:s25+$0x100]  }
0x11f: {  	s1 =	sand.u32 $0x200, s23;
	v8 =	vld [tilespmem:s26+$0x80];
	s30 =	sand.u32 $0x60, s22  }
0x120: {  	s31 =	sor.u32 $0x5180, s1;
	v9 =	vld [tilespmem:s25+$0x180];
	s21 =	sor.u32 $0x10, s30  }
0x121: {  	v10 =	vld [tilespmem:s26+$0x100];
	s29 =	sor.u32 s21, s31;
	v4 =	vadd.f32 v4, v3  }
0x122: {  	v5 =	vld [tilespmem:s29+$0x0]  }
0x123: {  	v3 =	vld [tilespmem:s26+$0x180];
	v11 =	vadd.f32 v6, v4  }
0x124: {  	v12 =	vadd.f32 v8, v7;
	v6 =	vld [tilespmem:s29+$0x80]  }
0x125: {  	s25 =	simm.s32 $0x0;
	s26 =	sor.u32 s30, s31;
	s30 =	sand.u32 $0x80, s24;
	v7 =	vld [tilespmem:s29+$0x100];
	v8 =	vadd.f32 v9, v11  }
0x126: {  	s24 =	simm.s32 $0x20;
	s30 =	sor.u32 s28, s30;
	s28 =	simm.s32 $0x20;
	v4 =	vld [tilespmem:s26+$0x0];
	v9 =	vadd.f32 v10, v12  }
.LBB2_11:
0x127: {  	s22 =	sadd.s32 $0x20, s22;
	v10 =	vld [tilespmem:s26+$0x80];
	s23 =	sadd.s32 $0x80, s23;
	[tilespmem:s30+$0x5580] =	vst v8  }
0x128: {  	v9 =	vadd.f32 v3, v9;
	s30 =	sand.u32 $0x60, s22;
	s31 =	sand.u32 $0x200, s23;
	s0 =	sshra.s32 s23, $0x2;
	v8 =	vld [tilespmem:s29+$0x180]  }
0x129: {  	v6 =	vadd.f32 v6, v5;
	p1 =	slt.u32 s22, $0xE0;
	s31 =	sor.u32 $0x5180, s31;
	s1 =	sor.u32 $0x10, s30;
	v11 =	vld [tilespmem:s26+$0x100]  }
.Ltmp7:
0x12a: {  	s29 =	sor.u32 s1, s31;
	v3 =	vld [tilespmem:s26+$0x180];
	s26 =	sor.u32 s30, s31;
	[tilespmem:s25+$0x5580] =	vst v9;
	(pc) =	sbr.rel @p1 .LBB2_11-.Ltmp7, $4  }
0x12b: {  	v7 =	vadd.f32 v7, v6;
	s25 =	smov.u32 s24;
	s24 =	smov.u32 s0;
	v5 =	vld [tilespmem:s29+$0x0]  }
0x12c: {  	v6 =	vld [tilespmem:s29+$0x80];
	v9 =	vadd.f32 v10, v4  }
0x12d: {  	s0 =	sand.u32 $0x80, s28;
	s28 =	smov.u32 s22;
	v4 =	vld [tilespmem:s26+$0x0];
	v8 =	vadd.f32 v8, v7  }
0x12e: {  	s30 =	sor.u32 s21, s0;
	s21 =	smov.u32 s1;
	v7 =	vld [tilespmem:s29+$0x100];
	v9 =	vadd.f32 v11, v9  }
.Ltmp8:
0x12f: {  	_ = 	snop;
	(pc) =	sbr.rel .LBB2_12-.Ltmp8, $1  }
0x130: {  	_ =	sdelay $0x3  }
.LBB2_14:
0x131: {  	_ =	sfence.sel $0x180000  }
0x132: {  	[bflag:$0x0] =	sbarrier.arrive $0xFFFF  }
0x133: {  	_ =	strace $0x90000047  }
0x134: {  	s0 =	stileid.u32;
	[bflag:$0x2] =	sbarrier.arrive $0xFFFF  }
0x135: {  	p0 =	sne.s32 s0, $0x0;
	s0 =	rddreg [dreg:$0x4]  }
0x136: {  	s0 =	sadd.s32 @!p0 $0x100000, s0  }
0x137: {  	[sflag:s0] =	ssyncadd.tile.s32 @!p0 $0x1;
	_ =	shalt  }
.Lfunc_end2:
_tile_overlayer_lowered:
.L_overlay_start_2:
0x138: {  	(tag) =	ssettag $0x2  }
0x139: {  	s0 =	rddreg [dreg:$0x0];
	s2 =	stileid.u32  }
0x13a: {  	s1 =	rddreg [dreg:$0x1];
	p0 =	sne.s32 s2, $0x0  }
0x13b: {  	s3 =	rddreg [dreg:$0x2];
	[bflag:$0x3] =	sbarrier.arrive $0xFFFF;
	s2 =	simm.s32 @!p0 $0x1C03  }
0x13c: {  	[timem:s3], [sflag:s2] =	dma.local @!p0 [hbm:s0], s1  }
0x13d: {  	s0 =	simm.s32 @!p0 $0x3  }
0x13e: {  	_ =	swait.ge @!p0 [sflag:s0], s1  }
0x13f: {  	s1 =	ssub.s32 @!p0 $0x0, s1;
	[sflag:s0] =	ssyncset.done @!p0 $0x0  }
0x140: {  	[sflag:s0] =	ssyncadd.s32 @!p0 s1  }
0x141: {  	[bflag:$0x3] =	sbarrier.arrive $0xFFFF  }
0x142: {  	_ =	shalt  }

</sc_bundles>
